<compile_context>
chip_gen: v7x
topology: tpu7x:2x2x1
jax: 0.10.2.dev20260603
libtpu: 0.0.44.dev20260713+nightly
codegen_flags: <defaults>
</compile_context>

<pallas_src>
import functools

import jax
import jax.numpy as jnp
import numpy as np
from jax import lax
from jax.experimental import pallas as pl
from jax.experimental.pallas import tpu as pltpu
from jax.experimental.pallas import tpu_sc as plsc

N = 97
F = 128
E_REAL = 1552 + N
NSUB = 16
E_SC = 1792
EPW = E_SC // NSUB
NEG = -1e9

_M1_BITS = [386, 1356, 1184, 3687, 3344, 108, 1507, 2727, 2645, 3512, 2812, 1802, 1450, 167, 2352, 511, 1016, 3422, 2576, 4054, 2809, 640, 3237, 2470, 1388, 1595, 892, 139, 1493, 457, 10, 3746, 1138, 3020, 1389, 4081, 2061, 3079, 1423, 1325, 3671, 965, 3644, 3222, 627, 2392, 2407, 3969, 616, 1512, 1838, 2027, 3722, 521, 3081, 188, 3247, 559, 1169, 3689, 355, 3356, 1920, 3912, 4036, 1667, 295, 1449, 276, 2256, 878, 2098, 2840, 688, 2422, 2562, 2960, 1332, 3469, 2725, 425, 3851, 1330, 2738, 450, 3017, 2471, 261, 425, 619, 2283, 3926, 1785, 2956, 1041, 1233, 51]
_M2_BITS = [60, 63, 24, 23, 33, 55, 26, 15, 38, 21, 42, 58, 33, 61, 2, 21, 41, 17, 29, 25, 10, 28, 40, 23, 25, 60, 27, 34, 34, 63, 56, 47, 41, 6, 0, 6, 14, 2, 32, 47, 35, 45, 54, 35, 55, 62, 22, 38, 8, 17, 53, 42, 13, 41, 11, 46, 25, 29, 38, 7, 12, 31, 8, 55, 52, 8, 20, 48, 6, 42, 44, 9, 48, 31, 31, 44, 48, 35, 23, 38, 3, 30, 10, 46, 41, 51, 23, 45, 51, 18, 31, 44, 35, 59, 47, 43, 22]
_G_BITS = [1064185698, 1080707905, 3191211716, 1045772544, 1066695104, 1061583543, 1046628365, 1039354229, 3212489860, 3210823780, 1007918135, 1071688662, 1065656419, 3214230402, 1076340680, 1051038454, 1034944685, 1068131036, 3148641439, 1080684841, 1076684830, 1034016575, 3175348410, 1064516324, 1067617352, 3208937006, 1068927085, 3168222090, 1054916422, 3192875513, 1078471478, 3214973773, 1075625013, 3196049393, 3215202283, 1077863277, 3211553965, 1054483987, 1059088472, 3174035042, 3205886520, 1071537004, 3204775558, 1047951015, 1057673296, 1069906048, 3177413385, 1066054170, 1033588833, 3195755640, 1041435265, 1051559060, 3204460130, 1065461854, 1060821185, 1060658382, 3197594100, 1066034264, 1054329669, 1044016925, 3195624449, 1079501693, 3214046541, 1025868252]


def _unpack_mask(bits, width, scale):
    m = np.zeros((F, width), np.float32)
    rows = np.asarray(bits, np.uint32)[:, None]
    m[:N, :] = ((rows >> np.arange(width)[None, :]) & 1).astype(np.float32) * scale
    return m


_M1 = _unpack_mask(_M1_BITS, 12, 2.0)
_M2 = _unpack_mask(_M2_BITS, 6, 2.0)
_G = np.asarray(_G_BITS, np.uint32).view(np.float32).reshape(1, 64)

_HEADS = ((2, 6), (2, 3), (1, 1))



@functools.lru_cache(maxsize=1)
def _sc_build_adj():
    mesh = plsc.VectorSubcoreMesh(core_axis_name="c", subcore_axis_name="s",
                                  num_cores=1)

    @functools.partial(
        pl.kernel,
        mesh=mesh,
        out_type=jax.ShapeDtypeStruct((F * F,), jnp.float32),
        scratch_types=[
            pltpu.VMEM((EPW,), jnp.int32),
            pltpu.VMEM((EPW,), jnp.int32),
            pltpu.VMEM((EPW,), jnp.int32),
            pltpu.VMEM((EPW,), jnp.float32),
            pltpu.VMEM_SHARED((F * F,), jnp.float32),
        ],
    )
    def build(src_hbm, dst_hbm, zeros_hbm, out_hbm,
              src_v, dst_v, keys_v, ones_v, acc_sh):
        sid = lax.axis_index("s")
        base = sid * EPW
        pltpu.sync_copy(src_hbm.at[pl.ds(base, EPW)], src_v)
        pltpu.sync_copy(dst_hbm.at[pl.ds(base, EPW)], dst_v)

        @pl.when(sid == 0)
        def _():
            pltpu.sync_copy(zeros_hbm, acc_sh)

        for j in range(EPW // 16):
            sl = pl.ds(j * 16, 16)
            keys_v[sl] = dst_v[sl] * 128 + src_v[sl]
            ones_v[sl] = jnp.full((16,), 1.0, jnp.float32)

        plsc.subcore_barrier()
        pltpu.sync_copy(ones_v, acc_sh.at[keys_v], add=True)
        plsc.subcore_barrier()

        @pl.when(sid == 0)
        def _():
            pltpu.sync_copy(acc_sh, out_hbm)

    return build


def _fused_kernel(a_ref, data_ref,
                  w1_ref, w2_ref, w3_ref,
                  as1_ref, ad1_ref, as2_ref, ad2_ref, as3_ref, ad3_ref,
                  b1_ref, b2_ref, b3_ref,
                  dm1_ref, dm2_ref,
                  l1w1_ref, l1w2_ref, cw1_ref, cw2_ref,
                  l1b1_ref, l1b2_ref, cb1_ref, cb2_ref,
                  amask_ref, g_ref,
                  probs_ref, value_ref, action_ref):
    f32 = jnp.float32
    bf16 = jnp.bfloat16
    HI = lax.Precision.HIGHEST
    dn_t = (((1,), (1,)), ((), ()))
    dn_l = (((0,), (0,)), ((), ()))

    def bdot(a, b, dn=None):
        if dn is None:
            return jnp.dot(a.astype(bf16), b.astype(bf16), preferred_element_type=f32)
        return lax.dot_general(a.astype(bf16), b.astype(bf16), dn, preferred_element_type=f32)

    A = a_ref[...]
    M = A > 0.0

    ones_col = jnp.ones((F, 1), f32)

    def gat(x, w_ref, as_ref, ad_ref, b_ref, H, C):
        xh = bdot(x, w_ref[...])
        ps = xh * as_ref[...]
        pd = xh * ad_ref[...]
        out = jnp.zeros((F, H * C), f32)
        for h in range(H):
            al_s = ps[:, h * C:h * C + 1]
            al_d = pd[:, h * C:h * C + 1]
            for c in range(1, C):
                al_s = al_s + ps[:, h * C + c:h * C + c + 1]
                al_d = al_d + pd[:, h * C + c:h * C + c + 1]
            srow = lax.dot_general(ones_col, al_s, dn_t, preferred_element_type=f32,
                                   precision=HI)
            e = al_d + srow
            e = jnp.where(e > 0.0, e, 0.2 * e)
            em = jnp.where(M, e, NEG)
            emax = jnp.max(em, axis=1, keepdims=True)
            p = A * jnp.exp(em - emax)
            denom = jnp.sum(p, axis=1, keepdims=True)
            coef = p / (denom + 1e-16)
            lane = lax.broadcasted_iota(jnp.int32, (1, H * C), 1)
            head_mask = ((lane >= h * C) & (lane < (h + 1) * C)).astype(f32)
            out = out + jnp.dot(coef, xh * head_mask, preferred_element_type=f32,
                                precision=HI)
        return out + b_ref[...]

    x = jnp.concatenate([data_ref[...], jnp.zeros((F - N, 12), f32)], axis=0)
    x = gat(x, w1_ref, as1_ref, ad1_ref, b1_ref, 2, 6)
    x = jnp.where(x > 0.0, x, jnp.exp(x) - 1.0) * dm1_ref[...]
    x = gat(x, w2_ref, as2_ref, ad2_ref, b2_ref, 2, 3)
    x = jnp.where(x > 0.0, x, jnp.exp(x) - 1.0) * dm2_ref[...]
    x = gat(x, w3_ref, as3_ref, ad3_ref, b3_ref, 1, 1)

    col_iota = lax.broadcasted_iota(jnp.int32, (F, 1), 0)
    x3 = jnp.where(col_iota < N, x, 0.0)[:N, :]

    h1 = bdot(x3, l1w1_ref[...], dn_l) + l1b1_ref[...]
    h2 = bdot(h1, l1w2_ref[...]) + l1b2_ref[...]
    p_ = jnp.where(amask_ref[...] > 0.0, jnp.tanh(h2), -999999.0)
    pm = jnp.max(p_, axis=1, keepdims=True)
    pe = jnp.exp(p_ - pm)
    probs = pe / jnp.sum(pe, axis=1, keepdims=True)
    probs_ref[...] = probs

    v1 = bdot(x3, cw1_ref[...], dn_l) + cb1_ref[...]
    value_ref[...] = jnp.dot(v1, cw2_ref[...], preferred_element_type=f32,
                             precision=HI) + cb2_ref[...]

    z = jnp.log(probs + 1e-20) + g_ref[...]
    zmax = jnp.max(z, axis=1, keepdims=True)
    lane64 = lax.broadcasted_iota(jnp.int32, (1, 64), 1)
    action_ref[...] = jnp.min(jnp.where(z == zmax, lane64, 2 ** 30), axis=1,
                              keepdims=True)


def kernel(data, params, edge_index, action_mask):
    p = params
    loop = jnp.arange(N, dtype=edge_index.dtype)
    src = jnp.concatenate([edge_index[0], loop,
                           jnp.full((E_SC - E_REAL,), 127, edge_index.dtype)]).astype(jnp.int32)
    dst = jnp.concatenate([edge_index[1], loop,
                           jnp.full((E_SC - E_REAL,), 127, edge_index.dtype)]).astype(jnp.int32)
    adj = _sc_build_adj()(src, dst, jnp.zeros((F * F,), jnp.float32)).reshape(F, F)

    probs, value, action = pl.pallas_call(
        _fused_kernel,
        out_shape=[
            jax.ShapeDtypeStruct((1, 64), jnp.float32),
            jax.ShapeDtypeStruct((1, 1), jnp.float32),
            jax.ShapeDtypeStruct((1, 1), jnp.int32),
        ],
    )(adj, data,
      p['W1'], p['W2'], p['W3'],
      p['as1'].reshape(1, 12), p['ad1'].reshape(1, 12),
      p['as2'].reshape(1, 6), p['ad2'].reshape(1, 6),
      p['as3'].reshape(1, 1), p['ad3'].reshape(1, 1),
      p['b1'].reshape(1, 12), p['b2'].reshape(1, 6), p['b3'].reshape(1, 1),
      jnp.asarray(_M1), jnp.asarray(_M2),
      p['l1_w1'], p['l1_w2'], p['c_w1'], p['c_w2'],
      p['l1_b1'].reshape(1, 128), p['l1_b2'].reshape(1, 64),
      p['c_b1'].reshape(1, 64), p['c_b2'].reshape(1, 1),
      action_mask.astype(jnp.float32).reshape(1, 64), jnp.asarray(_G))

    return probs, value, action, data

# --- scband reference (transcript-rebuilt; emitter-appended) ---
"""Pipeline reference for scband-gcn-33930241638429 (READ-ONLY COPY).

The authoritative reference and input builder live on the scoring server;
editing this copy changes nothing except your own understanding.
"""

import jax, jax.numpy as jnp
import numpy as np

REG = 64
N = 97

def _gat_conv(x, W, a_s, a_d, b, src, dst, n, H, C):
    xh = (x @ W).reshape(n, H, C)
    al_s = (xh * a_s[None]).sum(-1)
    al_d = (xh * a_d[None]).sum(-1)
    e = jax.nn.leaky_relu(al_s[src] + al_d[dst], 0.2)
    emax = jax.lax.stop_gradient(jax.ops.segment_max(e, dst, num_segments=n))
    ee = jnp.exp(e - emax[dst])
    denom = jax.ops.segment_sum(ee, dst, num_segments=n)
    alpha = ee / (denom[dst] + 1e-16)
    out = jax.ops.segment_sum(xh[src] * alpha[:, :, None], dst, num_segments=n)
    return out.reshape(n, H * C) + b

def _dropout(x, key, p=0.5):
    keep = jax.random.bernoulli(key, 1.0 - p, x.shape)
    return jnp.where(keep, x / (1.0 - p), 0.0)

def setup_inputs(seed: int = 0):
    key = jax.random.key(seed)
    ks = jax.random.split(key, 24)
    data = jax.random.normal(ks[0], (N, 12), jnp.float32)
    edge_index = jax.random.randint(ks[1], (2, 1552), 0, N, dtype=jnp.int32)
    s = 0.1
    params = {
        'W1': jax.random.normal(ks[2], (12, 12)) * s,
        'as1': jax.random.normal(ks[3], (2, 6)) * s,
        'ad1': jax.random.normal(ks[4], (2, 6)) * s,
        'b1': jnp.zeros((12,)),
        'W2': jax.random.normal(ks[5], (12, 6)) * s,
        'as2': jax.random.normal(ks[6], (2, 3)) * s,
        'ad2': jax.random.normal(ks[7], (2, 3)) * s,
        'b2': jnp.zeros((6,)),
        'W3': jax.random.normal(ks[8], (6, 1)) * s,
        'as3': jax.random.normal(ks[9], (1, 1)) * s,
        'ad3': jax.random.normal(ks[10], (1, 1)) * s,
        'b3': jnp.zeros((1,)),
        'l1_w1': jax.random.normal(ks[11], (N, 2 * REG)) * s,
        'l1_b1': jnp.zeros((2 * REG,)),
        'l1_w2': jax.random.normal(ks[12], (2 * REG, REG)) * s,
        'l1_b2': jnp.zeros((REG,)),
        'c_w1': jax.random.normal(ks[13], (N, REG)) * s,
        'c_b1': jnp.zeros((REG,)),
        'c_w2': jax.random.normal(ks[14], (REG, 1)) * s,
        'c_b2': jnp.zeros((1,)),
    }
    action_mask = jnp.ones((REG,), dtype=bool)
    return {'data': data, 'params': params, 'edge_index': edge_index, 'action_mask': action_mask}

def _forward(data, params, edge_index, action_mask):
    loop = jnp.arange(N, dtype=edge_index.dtype)
    src = jnp.concatenate([edge_index[0], loop])
    dst = jnp.concatenate([edge_index[1], loop])
    dk = jax.random.key(42)
    x = _gat_conv(data, params['W1'], params['as1'], params['ad1'], params['b1'], src, dst, N, 2, 6)
    x = jax.nn.elu(x)
    x = _dropout(x, jax.random.fold_in(dk, 0))
    x = _gat_conv(x, params['W2'], params['as2'], params['ad2'], params['b2'], src, dst, N, 2, 3)
    x = jax.nn.elu(x)
    x = _dropout(x, jax.random.fold_in(dk, 1))
    x = _gat_conv(x, params['W3'], params['as3'], params['ad3'], params['b3'], src, dst, N, 1, 1)
    xf = x.reshape(1, -1)
    value = (xf @ params['c_w1'] + params['c_b1']) @ params['c_w2'] + params['c_b2']
    h = (xf @ params['l1_w1'] + params['l1_b1']) @ params['l1_w2'] + params['l1_b2']
    p_ = jnp.where(action_mask[None, :], jnp.tanh(h), jnp.full((1, REG), -999999.0))
    probs = jax.nn.softmax(p_, axis=-1)
    return probs, value

def reference(data, params, edge_index, action_mask):
    probs, value = _forward(data, params, edge_index, action_mask)
    action = jax.random.categorical(jax.random.key(7), jnp.log(probs + 1e-20), axis=-1).reshape(1, 1)
    return (probs, value, action, data)

if __name__ == "__main__":
    import jax
    _d = setup_inputs()
    print(jax.jit(kernel)(*tuple(_d.values())))

</pallas_src>

<mosaic_0001>
#map = affine_map<(d0, d1) -> (0)>
module attributes {stable_mosaic.version = 14 : i64} {
  func.func @build(%arg0: i32, %arg1: i32, %arg2: memref<1792xi32, #tpu.memory_space<hbm>>, %arg3: memref<1792xi32, #tpu.memory_space<hbm>>, %arg4: memref<16384xf32, #tpu.memory_space<hbm>>, %arg5: memref<16384xf32, #tpu.memory_space<hbm>>, %arg6: memref<112xi32, #tpu.memory_space<vmem>>, %arg7: memref<112xi32, #tpu.memory_space<vmem>>, %arg8: memref<112xi32, #tpu.memory_space<vmem>>, %arg9: memref<112xf32, #tpu.memory_space<vmem>>, %arg10: memref<16384xf32, #tpu.memory_space<vmem_shared>>) attributes {dimension_semantics = [#tpu.dimension_semantics<core_parallel>, #tpu.dimension_semantics<subcore_parallel>], iteration_bounds = array<i64: 1, 16>, scalar_prefetch = 0 : i64, scratch_operands = 5 : i64, tpu.core_type = #tpu.core_type<sc_vector_subcore>, window_params = [{transform_indices = #map}, {transform_indices = #map}, {transform_indices = #map}, {transform_indices = #map}]} {
    %mul3A = arith.constant 112 : i32
    %mul3A_0 = arith.muli %arg1, %mul3A : i32
    "tpu.region"() ({
      %run_scoped3A = tpu.sem_alloc : memref<!tpu.dma_semaphore, #tpu.memory_space<semaphore_mem>>
      %dma_start3A = tpu.memref_slice %arg2[%mul3A_0] : memref<1792xi32, #tpu.memory_space<hbm>> -> memref<112xi32, #tpu.memory_space<hbm>>
      %dma_start3A_145 = tpu.memref_slice %arg2[%mul3A_0] : memref<1792xi32, #tpu.memory_space<hbm>> -> memref<112xi32, #tpu.memory_space<hbm>>
      tpu.enqueue_dma source(%dma_start3A_145 : memref<112xi32, #tpu.memory_space<hbm>>) target(%arg6 : memref<112xi32, #tpu.memory_space<vmem>>) target_semaphore(%run_scoped3A : memref<!tpu.dma_semaphore, #tpu.memory_space<semaphore_mem>>)
      %dma_wait3A = tpu.memref_slice %arg2[%mul3A_0] : memref<1792xi32, #tpu.memory_space<hbm>> -> memref<112xi32, #tpu.memory_space<hbm>>
      %dma_wait3A_146 = tpu.memref_slice %arg2[%mul3A_0] : memref<1792xi32, #tpu.memory_space<hbm>> -> memref<112xi32, #tpu.memory_space<hbm>>
      tpu.wait_dma2 semaphore(%run_scoped3A : memref<!tpu.dma_semaphore, #tpu.memory_space<semaphore_mem>>) src(%dma_wait3A_146 : memref<112xi32, #tpu.memory_space<hbm>>) dst(%arg6 : memref<112xi32, #tpu.memory_space<vmem>>)
      tpu.yield
    }) : () -> ()
    "tpu.region"() ({
      %run_scoped3A = tpu.sem_alloc : memref<!tpu.dma_semaphore, #tpu.memory_space<semaphore_mem>>
      %dma_start3A = tpu.memref_slice %arg3[%mul3A_0] : memref<1792xi32, #tpu.memory_space<hbm>> -> memref<112xi32, #tpu.memory_space<hbm>>
      %dma_start3A_145 = tpu.memref_slice %arg3[%mul3A_0] : memref<1792xi32, #tpu.memory_space<hbm>> -> memref<112xi32, #tpu.memory_space<hbm>>
      tpu.enqueue_dma source(%dma_start3A_145 : memref<112xi32, #tpu.memory_space<hbm>>) target(%arg7 : memref<112xi32, #tpu.memory_space<vmem>>) target_semaphore(%run_scoped3A : memref<!tpu.dma_semaphore, #tpu.memory_space<semaphore_mem>>)
      %dma_wait3A = tpu.memref_slice %arg3[%mul3A_0] : memref<1792xi32, #tpu.memory_space<hbm>> -> memref<112xi32, #tpu.memory_space<hbm>>
      %dma_wait3A_146 = tpu.memref_slice %arg3[%mul3A_0] : memref<1792xi32, #tpu.memory_space<hbm>> -> memref<112xi32, #tpu.memory_space<hbm>>
      tpu.wait_dma2 semaphore(%run_scoped3A : memref<!tpu.dma_semaphore, #tpu.memory_space<semaphore_mem>>) src(%dma_wait3A_146 : memref<112xi32, #tpu.memory_space<hbm>>) dst(%arg7 : memref<112xi32, #tpu.memory_space<vmem>>)
      tpu.yield
    }) : () -> ()
    %eq3A = arith.constant 0 : i32
    %eq3A_1 = arith.cmpi eq, %arg1, %eq3A : i32
    %convert_element_type3A = arith.extui %eq3A_1 : i1 to i32
    %cond3A = arith.constant 0 : i32
    %cond3A_2 = arith.cmpi ne, %convert_element_type3A, %cond3A : i32
    scf.if %cond3A_2 {
      "tpu.region"() ({
        %run_scoped3A = tpu.sem_alloc : memref<!tpu.dma_semaphore, #tpu.memory_space<semaphore_mem>>
        tpu.enqueue_dma source(%arg4 : memref<16384xf32, #tpu.memory_space<hbm>>) target(%arg10 : memref<16384xf32, #tpu.memory_space<vmem_shared>>) target_semaphore(%run_scoped3A : memref<!tpu.dma_semaphore, #tpu.memory_space<semaphore_mem>>)
        tpu.wait_dma2 semaphore(%run_scoped3A : memref<!tpu.dma_semaphore, #tpu.memory_space<semaphore_mem>>) src(%arg4 : memref<16384xf32, #tpu.memory_space<hbm>>) dst(%arg10 : memref<16384xf32, #tpu.memory_space<vmem_shared>>)
        tpu.yield
      }) : () -> ()
    } else {
    }
    %get3A = arith.constant 0 : index
    %get3A_3 = tpu.vector_load %arg7[%get3A] {strides = array<i32>} : memref<112xi32, #tpu.memory_space<vmem>>, vector<16xi32>,
    %get3A_4 = vector.shape_cast %get3A_3 : vector<16xi32> to vector<16xi32>
    %mul3A_5 = arith.constant 128 : i32
    %mul3A_6 = vector.broadcast %mul3A_5 : i32 to vector<16xi32>
    %mul3A_7 = arith.muli %get3A_4, %mul3A_6 : vector<16xi32>
    %get3A_8 = arith.constant 0 : index
    %get3A_9 = tpu.vector_load %arg6[%get3A_8] {strides = array<i32>} : memref<112xi32, #tpu.memory_space<vmem>>, vector<16xi32>,
    %get3A_10 = vector.shape_cast %get3A_9 : vector<16xi32> to vector<16xi32>
    %add3A = arith.addi %mul3A_7, %get3A_10 : vector<16xi32>
    %swap3A = arith.constant 0 : index
    %swap3A_11 = tpu.vector_load %arg8[%swap3A] {strides = array<i32>} : memref<112xi32, #tpu.memory_space<vmem>>, vector<16xi32>,
    %swap3A_12 = vector.shape_cast %swap3A_11 : vector<16xi32> to vector<16xi32>
    %swap3A_13 = vector.shape_cast %add3A : vector<16xi32> to vector<16xi32>
    tpu.vector_store %arg8[%swap3A], %swap3A_13 {strides = array<i32>} : memref<112xi32, #tpu.memory_space<vmem>>, vector<16xi32>,
    %broadcast_in_dim3A = arith.constant 1.000000e+00 : f32
    %broadcast_in_dim3A_14 = vector.broadcast %broadcast_in_dim3A : f32 to vector<16xf32>
    %swap3A_15 = arith.constant 0 : index
    %swap3A_16 = tpu.vector_load %arg9[%swap3A_15] {strides = array<i32>} : memref<112xf32, #tpu.memory_space<vmem>>, vector<16xf32>,
    %swap3A_17 = vector.shape_cast %swap3A_16 : vector<16xf32> to vector<16xf32>
    %swap3A_18 = vector.shape_cast %broadcast_in_dim3A_14 : vector<16xf32> to vector<16xf32>
    tpu.vector_store %arg9[%swap3A_15], %swap3A_18 {strides = array<i32>} : memref<112xf32, #tpu.memory_space<vmem>>, vector<16xf32>,
    %get3A_19 = arith.constant 16 : index
    %get3A_20 = tpu.vector_load %arg7[%get3A_19] {strides = array<i32>} : memref<112xi32, #tpu.memory_space<vmem>>, vector<16xi32>,
    %get3A_21 = vector.shape_cast %get3A_20 : vector<16xi32> to vector<16xi32>
    %mul3A_22 = arith.constant 128 : i32
    %mul3A_23 = vector.broadcast %mul3A_22 : i32 to vector<16xi32>
    %mul3A_24 = arith.muli %get3A_21, %mul3A_23 : vector<16xi32>
    %get3A_25 = arith.constant 16 : index
    %get3A_26 = tpu.vector_load %arg6[%get3A_25] {strides = array<i32>} : memref<112xi32, #tpu.memory_space<vmem>>, vector<16xi32>,
    %get3A_27 = vector.shape_cast %get3A_26 : vector<16xi32> to vector<16xi32>
    %add3A_28 = arith.addi %mul3A_24, %get3A_27 : vector<16xi32>
    %swap3A_29 = arith.constant 16 : index
    %swap3A_30 = tpu.vector_load %arg8[%swap3A_29] {strides = array<i32>} : memref<112xi32, #tpu.memory_space<vmem>>, vector<16xi32>,
    %swap3A_31 = vector.shape_cast %swap3A_30 : vector<16xi32> to vector<16xi32>
    %swap3A_32 = vector.shape_cast %add3A_28 : vector<16xi32> to vector<16xi32>
    tpu.vector_store %arg8[%swap3A_29], %swap3A_32 {strides = array<i32>} : memref<112xi32, #tpu.memory_space<vmem>>, vector<16xi32>,
    %broadcast_in_dim3A_33 = arith.constant 1.000000e+00 : f32
    %broadcast_in_dim3A_34 = vector.broadcast %broadcast_in_dim3A_33 : f32 to vector<16xf32>
    %swap3A_35 = arith.constant 16 : index
    %swap3A_36 = tpu.vector_load %arg9[%swap3A_35] {strides = array<i32>} : memref<112xf32, #tpu.memory_space<vmem>>, vector<16xf32>,
    %swap3A_37 = vector.shape_cast %swap3A_36 : vector<16xf32> to vector<16xf32>
    %swap3A_38 = vector.shape_cast %broadcast_in_dim3A_34 : vector<16xf32> to vector<16xf32>
    tpu.vector_store %arg9[%swap3A_35], %swap3A_38 {strides = array<i32>} : memref<112xf32, #tpu.memory_space<vmem>>, vector<16xf32>,
    %get3A_39 = arith.constant 32 : index
    %get3A_40 = tpu.vector_load %arg7[%get3A_39] {strides = array<i32>} : memref<112xi32, #tpu.memory_space<vmem>>, vector<16xi32>,
    %get3A_41 = vector.shape_cast %get3A_40 : vector<16xi32> to vector<16xi32>
    %mul3A_42 = arith.constant 128 : i32
    %mul3A_43 = vector.broadcast %mul3A_42 : i32 to vector<16xi32>
    %mul3A_44 = arith.muli %get3A_41, %mul3A_43 : vector<16xi32>
    %get3A_45 = arith.constant 32 : index
    %get3A_46 = tpu.vector_load %arg6[%get3A_45] {strides = array<i32>} : memref<112xi32, #tpu.memory_space<vmem>>, vector<16xi32>,
    %get3A_47 = vector.shape_cast %get3A_46 : vector<16xi32> to vector<16xi32>
    %add3A_48 = arith.addi %mul3A_44, %get3A_47 : vector<16xi32>
    %swap3A_49 = arith.constant 32 : index
    %swap3A_50 = tpu.vector_load %arg8[%swap3A_49] {strides = array<i32>} : memref<112xi32, #tpu.memory_space<vmem>>, vector<16xi32>,
    %swap3A_51 = vector.shape_cast %swap3A_50 : vector<16xi32> to vector<16xi32>
    %swap3A_52 = vector.shape_cast %add3A_48 : vector<16xi32> to vector<16xi32>
    tpu.vector_store %arg8[%swap3A_49], %swap3A_52 {strides = array<i32>} : memref<112xi32, #tpu.memory_space<vmem>>, vector<16xi32>,
    %broadcast_in_dim3A_53 = arith.constant 1.000000e+00 : f32
    %broadcast_in_dim3A_54 = vector.broadcast %broadcast_in_dim3A_53 : f32 to vector<16xf32>
    %swap3A_55 = arith.constant 32 : index
    %swap3A_56 = tpu.vector_load %arg9[%swap3A_55] {strides = array<i32>} : memref<112xf32, #tpu.memory_space<vmem>>, vector<16xf32>,
    %swap3A_57 = vector.shape_cast %swap3A_56 : vector<16xf32> to vector<16xf32>
    %swap3A_58 = vector.shape_cast %broadcast_in_dim3A_54 : vector<16xf32> to vector<16xf32>
    tpu.vector_store %arg9[%swap3A_55], %swap3A_58 {strides = array<i32>} : memref<112xf32, #tpu.memory_space<vmem>>, vector<16xf32>,
    %get3A_59 = arith.constant 48 : index
    %get3A_60 = tpu.vector_load %arg7[%get3A_59] {strides = array<i32>} : memref<112xi32, #tpu.memory_space<vmem>>, vector<16xi32>,
    %get3A_61 = vector.shape_cast %get3A_60 : vector<16xi32> to vector<16xi32>
    %mul3A_62 = arith.constant 128 : i32
    %mul3A_63 = vector.broadcast %mul3A_62 : i32 to vector<16xi32>
    %mul3A_64 = arith.muli %get3A_61, %mul3A_63 : vector<16xi32>
    %get3A_65 = arith.constant 48 : index
    %get3A_66 = tpu.vector_load %arg6[%get3A_65] {strides = array<i32>} : memref<112xi32, #tpu.memory_space<vmem>>, vector<16xi32>,
    %get3A_67 = vector.shape_cast %get3A_66 : vector<16xi32> to vector<16xi32>
    %add3A_68 = arith.addi %mul3A_64, %get3A_67 : vector<16xi32>
    %swap3A_69 = arith.constant 48 : index
    %swap3A_70 = tpu.vector_load %arg8[%swap3A_69] {strides = array<i32>} : memref<112xi32, #tpu.memory_space<vmem>>, vector<16xi32>,
    %swap3A_71 = vector.shape_cast %swap3A_70 : vector<16xi32> to vector<16xi32>
    %swap3A_72 = vector.shape_cast %add3A_68 : vector<16xi32> to vector<16xi32>
    tpu.vector_store %arg8[%swap3A_69], %swap3A_72 {strides = array<i32>} : memref<112xi32, #tpu.memory_space<vmem>>, vector<16xi32>,
    %broadcast_in_dim3A_73 = arith.constant 1.000000e+00 : f32
    %broadcast_in_dim3A_74 = vector.broadcast %broadcast_in_dim3A_73 : f32 to vector<16xf32>
    %swap3A_75 = arith.constant 48 : index
    %swap3A_76 = tpu.vector_load %arg9[%swap3A_75] {strides = array<i32>} : memref<112xf32, #tpu.memory_space<vmem>>, vector<16xf32>,
    %swap3A_77 = vector.shape_cast %swap3A_76 : vector<16xf32> to vector<16xf32>
    %swap3A_78 = vector.shape_cast %broadcast_in_dim3A_74 : vector<16xf32> to vector<16xf32>
    tpu.vector_store %arg9[%swap3A_75], %swap3A_78 {strides = array<i32>} : memref<112xf32, #tpu.memory_space<vmem>>, vector<16xf32>,
    %get3A_79 = arith.constant 64 : index
    %get3A_80 = tpu.vector_load %arg7[%get3A_79] {strides = array<i32>} : memref<112xi32, #tpu.memory_space<vmem>>, vector<16xi32>,
    %get3A_81 = vector.shape_cast %get3A_80 : vector<16xi32> to vector<16xi32>
    %mul3A_82 = arith.constant 128 : i32
    %mul3A_83 = vector.broadcast %mul3A_82 : i32 to vector<16xi32>
    %mul3A_84 = arith.muli %get3A_81, %mul3A_83 : vector<16xi32>
    %get3A_85 = arith.constant 64 : index
    %get3A_86 = tpu.vector_load %arg6[%get3A_85] {strides = array<i32>} : memref<112xi32, #tpu.memory_space<vmem>>, vector<16xi32>,
    %get3A_87 = vector.shape_cast %get3A_86 : vector<16xi32> to vector<16xi32>
    %add3A_88 = arith.addi %mul3A_84, %get3A_87 : vector<16xi32>
    %swap3A_89 = arith.constant 64 : index
    %swap3A_90 = tpu.vector_load %arg8[%swap3A_89] {strides = array<i32>} : memref<112xi32, #tpu.memory_space<vmem>>, vector<16xi32>,
    %swap3A_91 = vector.shape_cast %swap3A_90 : vector<16xi32> to vector<16xi32>
    %swap3A_92 = vector.shape_cast %add3A_88 : vector<16xi32> to vector<16xi32>
    tpu.vector_store %arg8[%swap3A_89], %swap3A_92 {strides = array<i32>} : memref<112xi32, #tpu.memory_space<vmem>>, vector<16xi32>,
    %broadcast_in_dim3A_93 = arith.constant 1.000000e+00 : f32
    %broadcast_in_dim3A_94 = vector.broadcast %broadcast_in_dim3A_93 : f32 to vector<16xf32>
    %swap3A_95 = arith.constant 64 : index
    %swap3A_96 = tpu.vector_load %arg9[%swap3A_95] {strides = array<i32>} : memref<112xf32, #tpu.memory_space<vmem>>, vector<16xf32>,
    %swap3A_97 = vector.shape_cast %swap3A_96 : vector<16xf32> to vector<16xf32>
    %swap3A_98 = vector.shape_cast %broadcast_in_dim3A_94 : vector<16xf32> to vector<16xf32>
    tpu.vector_store %arg9[%swap3A_95], %swap3A_98 {strides = array<i32>} : memref<112xf32, #tpu.memory_space<vmem>>, vector<16xf32>,
    %get3A_99 = arith.constant 80 : index
    %get3A_100 = tpu.vector_load %arg7[%get3A_99] {strides = array<i32>} : memref<112xi32, #tpu.memory_space<vmem>>, vector<16xi32>,
    %get3A_101 = vector.shape_cast %get3A_100 : vector<16xi32> to vector<16xi32>
    %mul3A_102 = arith.constant 128 : i32
    %mul3A_103 = vector.broadcast %mul3A_102 : i32 to vector<16xi32>
    %mul3A_104 = arith.muli %get3A_101, %mul3A_103 : vector<16xi32>
    %get3A_105 = arith.constant 80 : index
    %get3A_106 = tpu.vector_load %arg6[%get3A_105] {strides = array<i32>} : memref<112xi32, #tpu.memory_space<vmem>>, vector<16xi32>,
    %get3A_107 = vector.shape_cast %get3A_106 : vector<16xi32> to vector<16xi32>
    %add3A_108 = arith.addi %mul3A_104, %get3A_107 : vector<16xi32>
    %swap3A_109 = arith.constant 80 : index
    %swap3A_110 = tpu.vector_load %arg8[%swap3A_109] {strides = array<i32>} : memref<112xi32, #tpu.memory_space<vmem>>, vector<16xi32>,
    %swap3A_111 = vector.shape_cast %swap3A_110 : vector<16xi32> to vector<16xi32>
    %swap3A_112 = vector.shape_cast %add3A_108 : vector<16xi32> to vector<16xi32>
    tpu.vector_store %arg8[%swap3A_109], %swap3A_112 {strides = array<i32>} : memref<112xi32, #tpu.memory_space<vmem>>, vector<16xi32>,
    %broadcast_in_dim3A_113 = arith.constant 1.000000e+00 : f32
    %broadcast_in_dim3A_114 = vector.broadcast %broadcast_in_dim3A_113 : f32 to vector<16xf32>
    %swap3A_115 = arith.constant 80 : index
    %swap3A_116 = tpu.vector_load %arg9[%swap3A_115] {strides = array<i32>} : memref<112xf32, #tpu.memory_space<vmem>>, vector<16xf32>,
    %swap3A_117 = vector.shape_cast %swap3A_116 : vector<16xf32> to vector<16xf32>
    %swap3A_118 = vector.shape_cast %broadcast_in_dim3A_114 : vector<16xf32> to vector<16xf32>
    tpu.vector_store %arg9[%swap3A_115], %swap3A_118 {strides = array<i32>} : memref<112xf32, #tpu.memory_space<vmem>>, vector<16xf32>,
    %get3A_119 = arith.constant 96 : index
    %get3A_120 = tpu.vector_load %arg7[%get3A_119] {strides = array<i32>} : memref<112xi32, #tpu.memory_space<vmem>>, vector<16xi32>,
    %get3A_121 = vector.shape_cast %get3A_120 : vector<16xi32> to vector<16xi32>
    %mul3A_122 = arith.constant 128 : i32
    %mul3A_123 = vector.broadcast %mul3A_122 : i32 to vector<16xi32>
    %mul3A_124 = arith.muli %get3A_121, %mul3A_123 : vector<16xi32>
    %get3A_125 = arith.constant 96 : index
    %get3A_126 = tpu.vector_load %arg6[%get3A_125] {strides = array<i32>} : memref<112xi32, #tpu.memory_space<vmem>>, vector<16xi32>,
    %get3A_127 = vector.shape_cast %get3A_126 : vector<16xi32> to vector<16xi32>
    %add3A_128 = arith.addi %mul3A_124, %get3A_127 : vector<16xi32>
    %swap3A_129 = arith.constant 96 : index
    %swap3A_130 = tpu.vector_load %arg8[%swap3A_129] {strides = array<i32>} : memref<112xi32, #tpu.memory_space<vmem>>, vector<16xi32>,
    %swap3A_131 = vector.shape_cast %swap3A_130 : vector<16xi32> to vector<16xi32>
    %swap3A_132 = vector.shape_cast %add3A_128 : vector<16xi32> to vector<16xi32>
    tpu.vector_store %arg8[%swap3A_129], %swap3A_132 {strides = array<i32>} : memref<112xi32, #tpu.memory_space<vmem>>, vector<16xi32>,
    %broadcast_in_dim3A_133 = arith.constant 1.000000e+00 : f32
    %broadcast_in_dim3A_134 = vector.broadcast %broadcast_in_dim3A_133 : f32 to vector<16xf32>
    %swap3A_135 = arith.constant 96 : index
    %swap3A_136 = tpu.vector_load %arg9[%swap3A_135] {strides = array<i32>} : memref<112xf32, #tpu.memory_space<vmem>>, vector<16xf32>,
    %swap3A_137 = vector.shape_cast %swap3A_136 : vector<16xf32> to vector<16xf32>
    %swap3A_138 = vector.shape_cast %broadcast_in_dim3A_134 : vector<16xf32> to vector<16xf32>
    tpu.vector_store %arg9[%swap3A_135], %swap3A_138 {strides = array<i32>} : memref<112xf32, #tpu.memory_space<vmem>>, vector<16xf32>,
    %barrier3A = arith.constant 0 : index
    tpu.barrier barrier_id(%barrier3A)
    "tpu.region"() ({
      %run_scoped3A = tpu.sem_alloc : memref<!tpu.dma_semaphore, #tpu.memory_space<semaphore_mem>>
      %dma_start3A = arith.constant 0 : i32
      %dma_start3A_145 = tpu.memref_slice %arg10[%dma_start3A] : memref<16384xf32, #tpu.memory_space<vmem_shared>> -> memref<16384xf32, #tpu.memory_space<vmem_shared>>
      tpu.enqueue_indirect_dma source(%arg9 : memref<112xf32, #tpu.memory_space<vmem>>) target(%dma_start3A_145 : memref<16384xf32, #tpu.memory_space<vmem_shared>>) offsets(%arg8 : memref<112xi32, #tpu.memory_space<vmem>>) semaphore(%run_scoped3A : memref<!tpu.dma_semaphore, #tpu.memory_space<semaphore_mem>>) {add = true}
      %dma_wait3A = arith.constant 0 : i32
      %dma_wait3A_146 = tpu.memref_slice %arg10[%dma_wait3A] : memref<16384xf32, #tpu.memory_space<vmem_shared>> -> memref<16384xf32, #tpu.memory_space<vmem_shared>>
      tpu.wait_indirect_dma semaphore(%run_scoped3A : memref<!tpu.dma_semaphore, #tpu.memory_space<semaphore_mem>>) src(%arg9 : memref<112xf32, #tpu.memory_space<vmem>>) dst(%dma_wait3A_146 : memref<16384xf32, #tpu.memory_space<vmem_shared>>)
      tpu.yield
    }) : () -> ()
    %barrier3A_139 = arith.constant 0 : index
    tpu.barrier barrier_id(%barrier3A_139)
    %eq3A_140 = arith.constant 0 : i32
    %eq3A_141 = arith.cmpi eq, %arg1, %eq3A_140 : i32
    %convert_element_type3A_142 = arith.extui %eq3A_141 : i1 to i32
    %cond3A_143 = arith.constant 0 : i32
    %cond3A_144 = arith.cmpi ne, %convert_element_type3A_142, %cond3A_143 : i32
    scf.if %cond3A_144 {
      "tpu.region"() ({
        %run_scoped3A = tpu.sem_alloc : memref<!tpu.dma_semaphore, #tpu.memory_space<semaphore_mem>>
        tpu.enqueue_dma source(%arg10 : memref<16384xf32, #tpu.memory_space<vmem_shared>>) target(%arg5 : memref<16384xf32, #tpu.memory_space<hbm>>) target_semaphore(%run_scoped3A : memref<!tpu.dma_semaphore, #tpu.memory_space<semaphore_mem>>)
        tpu.wait_dma2 semaphore(%run_scoped3A : memref<!tpu.dma_semaphore, #tpu.memory_space<semaphore_mem>>) src(%arg10 : memref<16384xf32, #tpu.memory_space<vmem_shared>>) dst(%arg5 : memref<16384xf32, #tpu.memory_space<hbm>>)
        tpu.yield
      }) : () -> ()
    } else {
    }
    return
  }
}

module attributes {stable_mosaic.version = 14 : i64} {
  func.func @_fused_kernel(%arg0: memref<128x128xf32, #tpu.memory_space<vmem>>, %arg1: memref<97x12xf32, #tpu.memory_space<vmem>>, %arg2: memref<12x12xf32, #tpu.memory_space<vmem>>, %arg3: memref<12x6xf32, #tpu.memory_space<vmem>>, %arg4: memref<6x1xf32, #tpu.memory_space<vmem>>, %arg5: memref<1x12xf32, #tpu.memory_space<vmem>>, %arg6: memref<1x12xf32, #tpu.memory_space<vmem>>, %arg7: memref<1x6xf32, #tpu.memory_space<vmem>>, %arg8: memref<1x6xf32, #tpu.memory_space<vmem>>, %arg9: memref<1x1xf32, #tpu.memory_space<vmem>>, %arg10: memref<1x1xf32, #tpu.memory_space<vmem>>, %arg11: memref<1x12xf32, #tpu.memory_space<vmem>>, %arg12: memref<1x6xf32, #tpu.memory_space<vmem>>, %arg13: memref<1x1xf32, #tpu.memory_space<vmem>>, %arg14: memref<128x12xf32, #tpu.memory_space<vmem>>, %arg15: memref<128x6xf32, #tpu.memory_space<vmem>>, %arg16: memref<97x128xf32, #tpu.memory_space<vmem>>, %arg17: memref<128x64xf32, #tpu.memory_space<vmem>>, %arg18: memref<97x64xf32, #tpu.memory_space<vmem>>, %arg19: memref<64x1xf32, #tpu.memory_space<vmem>>, %arg20: memref<1x128xf32, #tpu.memory_space<vmem>>, %arg21: memref<1x64xf32, #tpu.memory_space<vmem>>, %arg22: memref<1x64xf32, #tpu.memory_space<vmem>>, %arg23: memref<1x1xf32, #tpu.memory_space<vmem>>, %arg24: memref<1x64xf32, #tpu.memory_space<vmem>>, %arg25: memref<1x64xf32, #tpu.memory_space<vmem>>, %arg26: memref<1x64xf32, #tpu.memory_space<vmem>>, %arg27: memref<1x1xf32, #tpu.memory_space<vmem>>, %arg28: memref<1x1xi32, #tpu.memory_space<vmem>>) attributes {dimension_semantics = [], scalar_prefetch = 0 : i64, scratch_operands = 0 : i64, tpu.core_type = #tpu.core_type<tc>} {
    %get3A = arith.constant 0 : index
    %get3A_0 = arith.constant 0 : index
    %get3A_1 = vector.load %arg0[%get3A, %get3A_0] : memref<128x128xf32, #tpu.memory_space<vmem>>, vector<128x128xf32>
    %gt3A = arith.constant 0.000000e+00 : f32
    %gt3A_2 = vector.broadcast %gt3A : f32 to vector<128x128xf32>
    %gt3A_3 = arith.cmpf ogt, %get3A_1, %gt3A_2 : vector<128x128xf32>
    %broadcast_in_dim3A = arith.constant 1.000000e+00 : f32
    %broadcast_in_dim3A_4 = vector.broadcast %broadcast_in_dim3A : f32 to vector<128x1xf32>
    %get3A_5 = arith.constant 0 : index
    %get3A_6 = arith.constant 0 : index
    %get3A_7 = vector.load %arg1[%get3A_5, %get3A_6] : memref<97x12xf32, #tpu.memory_space<vmem>>, vector<97x12xf32>
    %broadcast_in_dim3A_8 = arith.constant 0.000000e+00 : f32
    %broadcast_in_dim3A_9 = vector.broadcast %broadcast_in_dim3A_8 : f32 to vector<31x12xf32>
    %concatenate3A = tpu.concatenate %get3A_7, %broadcast_in_dim3A_9 in 0 : vector<97x12xf32>, vector<31x12xf32> -> vector<128x12xf32>
    %get3A_10 = arith.constant 0 : index
    %get3A_11 = arith.constant 0 : index
    %get3A_12 = vector.load %arg2[%get3A_10, %get3A_11] : memref<12x12xf32, #tpu.memory_space<vmem>>, vector<12x12xf32>
    %convert_element_type3A = arith.truncf %concatenate3A : vector<128x12xf32> to vector<128x12xbf16>
    %convert_element_type3A_13 = arith.truncf %get3A_12 : vector<12x12xf32> to vector<12x12xbf16>
    %dot_general3A = arith.constant dense<0.000000e+00> : vector<128x12xf32>
    %dot_general3A_14 = tpu.matmul %convert_element_type3A, %convert_element_type3A_13, %dot_general3A {dimension_numbers = #tpu.dot_dimension_numbers<[1], [0], [0], [1], [0, 0, 1, 1], [], []>, transpose_lhs_hint = false} : vector<128x12xbf16>, vector<12x12xbf16>, vector<128x12xf32> -> vector<128x12xf32>
    %get3A_15 = arith.constant 0 : index
    %get3A_16 = arith.constant 0 : index
    %get3A_17 = vector.load %arg5[%get3A_15, %get3A_16] : memref<1x12xf32, #tpu.memory_space<vmem>>, vector<1x12xf32>
    %mul3A = vector.broadcast %get3A_17 : vector<1x12xf32> to vector<128x12xf32>
    %mul3A_18 = arith.mulf %dot_general3A_14, %mul3A : vector<128x12xf32>
    %get3A_19 = arith.constant 0 : index
    %get3A_20 = arith.constant 0 : index
    %get3A_21 = vector.load %arg6[%get3A_19, %get3A_20] : memref<1x12xf32, #tpu.memory_space<vmem>>, vector<1x12xf32>
    %mul3A_22 = vector.broadcast %get3A_21 : vector<1x12xf32> to vector<128x12xf32>
    %mul3A_23 = arith.mulf %dot_general3A_14, %mul3A_22 : vector<128x12xf32>
    %broadcast_in_dim3A_24 = arith.constant 0.000000e+00 : f32
    %broadcast_in_dim3A_25 = vector.broadcast %broadcast_in_dim3A_24 : f32 to vector<128x12xf32>
    %slice3A = vector.extract_strided_slice %mul3A_18 {offsets = [0, 0], sizes = [128, 1], strides = [1, 1]} : vector<128x12xf32> to vector<128x1xf32>
    %slice3A_26 = vector.extract_strided_slice %mul3A_23 {offsets = [0, 0], sizes = [128, 1], strides = [1, 1]} : vector<128x12xf32> to vector<128x1xf32>
    %slice3A_27 = vector.extract_strided_slice %mul3A_18 {offsets = [0, 1], sizes = [128, 1], strides = [1, 1]} : vector<128x12xf32> to vector<128x1xf32>
    %add3A = arith.addf %slice3A, %slice3A_27 : vector<128x1xf32>
    %slice3A_28 = vector.extract_strided_slice %mul3A_23 {offsets = [0, 1], sizes = [128, 1], strides = [1, 1]} : vector<128x12xf32> to vector<128x1xf32>
    %add3A_29 = arith.addf %slice3A_26, %slice3A_28 : vector<128x1xf32>
    %slice3A_30 = vector.extract_strided_slice %mul3A_18 {offsets = [0, 2], sizes = [128, 1], strides = [1, 1]} : vector<128x12xf32> to vector<128x1xf32>
    %add3A_31 = arith.addf %add3A, %slice3A_30 : vector<128x1xf32>
    %slice3A_32 = vector.extract_strided_slice %mul3A_23 {offsets = [0, 2], sizes = [128, 1], strides = [1, 1]} : vector<128x12xf32> to vector<128x1xf32>
    %add3A_33 = arith.addf %add3A_29, %slice3A_32 : vector<128x1xf32>
    %slice3A_34 = vector.extract_strided_slice %mul3A_18 {offsets = [0, 3], sizes = [128, 1], strides = [1, 1]} : vector<128x12xf32> to vector<128x1xf32>
    %add3A_35 = arith.addf %add3A_31, %slice3A_34 : vector<128x1xf32>
    %slice3A_36 = vector.extract_strided_slice %mul3A_23 {offsets = [0, 3], sizes = [128, 1], strides = [1, 1]} : vector<128x12xf32> to vector<128x1xf32>
    %add3A_37 = arith.addf %add3A_33, %slice3A_36 : vector<128x1xf32>
    %slice3A_38 = vector.extract_strided_slice %mul3A_18 {offsets = [0, 4], sizes = [128, 1], strides = [1, 1]} : vector<128x12xf32> to vector<128x1xf32>
    %add3A_39 = arith.addf %add3A_35, %slice3A_38 : vector<128x1xf32>
    %slice3A_40 = vector.extract_strided_slice %mul3A_23 {offsets = [0, 4], sizes = [128, 1], strides = [1, 1]} : vector<128x12xf32> to vector<128x1xf32>
    %add3A_41 = arith.addf %add3A_37, %slice3A_40 : vector<128x1xf32>
    %slice3A_42 = vector.extract_strided_slice %mul3A_18 {offsets = [0, 5], sizes = [128, 1], strides = [1, 1]} : vector<128x12xf32> to vector<128x1xf32>
    %add3A_43 = arith.addf %add3A_39, %slice3A_42 : vector<128x1xf32>
    %slice3A_44 = vector.extract_strided_slice %mul3A_23 {offsets = [0, 5], sizes = [128, 1], strides = [1, 1]} : vector<128x12xf32> to vector<128x1xf32>
    %add3A_45 = arith.addf %add3A_41, %slice3A_44 : vector<128x1xf32>
    %dot_general3A_46 = arith.constant dense<0.000000e+00> : vector<128x128xf32>
    %dot_general3A_47 = tpu.matmul %broadcast_in_dim3A_4, %add3A_43, %dot_general3A_46 {dimension_numbers = #tpu.dot_dimension_numbers<[1], [1], [0], [0], [0, 0, 1, 0], [], []>, precision = #tpu.contract_precision<fp32>, transpose_lhs_hint = false} : vector<128x1xf32>, vector<128x1xf32>, vector<128x128xf32> -> vector<128x128xf32>
    %add3A_48 = vector.broadcast %add3A_45 : vector<128x1xf32> to vector<128x128xf32>
    %add3A_49 = arith.addf %add3A_48, %dot_general3A_47 : vector<128x128xf32>
    %gt3A_50 = arith.constant 0.000000e+00 : f32
    %gt3A_51 = vector.broadcast %gt3A_50 : f32 to vector<128x128xf32>
    %gt3A_52 = arith.cmpf ogt, %add3A_49, %gt3A_51 : vector<128x128xf32>
    %mul3A_53 = arith.constant 2.000000e-01 : f32
    %mul3A_54 = vector.broadcast %mul3A_53 : f32 to vector<128x128xf32>
    %mul3A_55 = arith.mulf %mul3A_54, %add3A_49 : vector<128x128xf32>
    %select_n3A = arith.select %gt3A_52, %add3A_49, %mul3A_55 : vector<128x128xi1>, vector<128x128xf32>
    %jit3A = arith.constant -1.000000e+09 : f32
    %broadcast_in_dim3A_56 = vector.broadcast %jit3A : f32 to vector<128x128xf32>
    %select_n3A_57 = arith.select %gt3A_3, %select_n3A, %broadcast_in_dim3A_56 : vector<128x128xi1>, vector<128x128xf32>
    %reduce_max3A = arith.constant dense<0xFF800000> : vector<128xf32>
    %reduce_max3A_58 = vector.multi_reduction <maximumf>, %select_n3A_57, %reduce_max3A [1] : vector<128x128xf32> to vector<128xf32>
    %broadcast_in_dim3A_59 = vector.shape_cast %reduce_max3A_58 : vector<128xf32> to vector<128x1xf32>
    %sub3A = vector.broadcast %broadcast_in_dim3A_59 : vector<128x1xf32> to vector<128x128xf32>
    %sub3A_60 = arith.subf %select_n3A_57, %sub3A : vector<128x128xf32>
    %exp3A = math.exp %sub3A_60 : vector<128x128xf32>
    %mul3A_61 = arith.mulf %get3A_1, %exp3A : vector<128x128xf32>
    %reduce_sum3A = arith.constant dense<0.000000e+00> : vector<128xf32>
    %reduce_sum3A_62 = vector.multi_reduction <add>, %mul3A_61, %reduce_sum3A [1] : vector<128x128xf32> to vector<128xf32>
    %broadcast_in_dim3A_63 = vector.shape_cast %reduce_sum3A_62 : vector<128xf32> to vector<128x1xf32>
    %add3A_64 = arith.constant 1.000000e-16 : f32
    %add3A_65 = vector.broadcast %add3A_64 : f32 to vector<128x1xf32>
    %add3A_66 = arith.addf %broadcast_in_dim3A_63, %add3A_65 : vector<128x1xf32>
    %div3A = vector.broadcast %add3A_66 : vector<128x1xf32> to vector<128x128xf32>
    %div3A_67 = arith.divf %mul3A_61, %div3A : vector<128x128xf32>
    %iota3A = tpu.iota {dimensions = array<i32: 1>} : vector<1x12xi32>
    %ge3A = arith.constant 0 : i32
    %ge3A_68 = vector.broadcast %ge3A : i32 to vector<1x12xi32>
    %ge3A_69 = arith.cmpi sge, %iota3A, %ge3A_68 : vector<1x12xi32>
    %lt3A = arith.constant 6 : i32
    %lt3A_70 = vector.broadcast %lt3A : i32 to vector<1x12xi32>
    %lt3A_71 = arith.cmpi slt, %iota3A, %lt3A_70 : vector<1x12xi32>
    %and3A = arith.andi %ge3A_69, %lt3A_71 : vector<1x12xi1>
    %convert_element_type3A_72 = arith.extui %and3A : vector<1x12xi1> to vector<1x12xi32>
    %convert_element_type3A_73 = arith.sitofp %convert_element_type3A_72 : vector<1x12xi32> to vector<1x12xf32>
    %mul3A_74 = vector.broadcast %convert_element_type3A_73 : vector<1x12xf32> to vector<128x12xf32>
    %mul3A_75 = arith.mulf %dot_general3A_14, %mul3A_74 : vector<128x12xf32>
    %dot_general3A_76 = arith.constant dense<0.000000e+00> : vector<128x12xf32>
    %dot_general3A_77 = tpu.matmul %div3A_67, %mul3A_75, %dot_general3A_76 {dimension_numbers = #tpu.dot_dimension_numbers<[1], [0], [0], [1], [0, 0, 1, 1], [], []>, precision = #tpu.contract_precision<fp32>, transpose_lhs_hint = false} : vector<128x128xf32>, vector<128x12xf32>, vector<128x12xf32> -> vector<128x12xf32>
    %add3A_78 = arith.addf %broadcast_in_dim3A_25, %dot_general3A_77 : vector<128x12xf32>
    %slice3A_79 = vector.extract_strided_slice %mul3A_18 {offsets = [0, 6], sizes = [128, 1], strides = [1, 1]} : vector<128x12xf32> to vector<128x1xf32>
    %slice3A_80 = vector.extract_strided_slice %mul3A_23 {offsets = [0, 6], sizes = [128, 1], strides = [1, 1]} : vector<128x12xf32> to vector<128x1xf32>
    %slice3A_81 = vector.extract_strided_slice %mul3A_18 {offsets = [0, 7], sizes = [128, 1], strides = [1, 1]} : vector<128x12xf32> to vector<128x1xf32>
    %add3A_82 = arith.addf %slice3A_79, %slice3A_81 : vector<128x1xf32>
    %slice3A_83 = vector.extract_strided_slice %mul3A_23 {offsets = [0, 7], sizes = [128, 1], strides = [1, 1]} : vector<128x12xf32> to vector<128x1xf32>
    %add3A_84 = arith.addf %slice3A_80, %slice3A_83 : vector<128x1xf32>
    %slice3A_85 = vector.extract_strided_slice %mul3A_18 {offsets = [0, 8], sizes = [128, 1], strides = [1, 1]} : vector<128x12xf32> to vector<128x1xf32>
    %add3A_86 = arith.addf %add3A_82, %slice3A_85 : vector<128x1xf32>
    %slice3A_87 = vector.extract_strided_slice %mul3A_23 {offsets = [0, 8], sizes = [128, 1], strides = [1, 1]} : vector<128x12xf32> to vector<128x1xf32>
    %add3A_88 = arith.addf %add3A_84, %slice3A_87 : vector<128x1xf32>
    %slice3A_89 = vector.extract_strided_slice %mul3A_18 {offsets = [0, 9], sizes = [128, 1], strides = [1, 1]} : vector<128x12xf32> to vector<128x1xf32>
    %add3A_90 = arith.addf %add3A_86, %slice3A_89 : vector<128x1xf32>
    %slice3A_91 = vector.extract_strided_slice %mul3A_23 {offsets = [0, 9], sizes = [128, 1], strides = [1, 1]} : vector<128x12xf32> to vector<128x1xf32>
    %add3A_92 = arith.addf %add3A_88, %slice3A_91 : vector<128x1xf32>
    %slice3A_93 = vector.extract_strided_slice %mul3A_18 {offsets = [0, 10], sizes = [128, 1], strides = [1, 1]} : vector<128x12xf32> to vector<128x1xf32>
    %add3A_94 = arith.addf %add3A_90, %slice3A_93 : vector<128x1xf32>
    %slice3A_95 = vector.extract_strided_slice %mul3A_23 {offsets = [0, 10], sizes = [128, 1], strides = [1, 1]} : vector<128x12xf32> to vector<128x1xf32>
    %add3A_96 = arith.addf %add3A_92, %slice3A_95 : vector<128x1xf32>
    %slice3A_97 = vector.extract_strided_slice %mul3A_18 {offsets = [0, 11], sizes = [128, 1], strides = [1, 1]} : vector<128x12xf32> to vector<128x1xf32>
    %add3A_98 = arith.addf %add3A_94, %slice3A_97 : vector<128x1xf32>
    %slice3A_99 = vector.extract_strided_slice %mul3A_23 {offsets = [0, 11], sizes = [128, 1], strides = [1, 1]} : vector<128x12xf32> to vector<128x1xf32>
    %add3A_100 = arith.addf %add3A_96, %slice3A_99 : vector<128x1xf32>
    %dot_general3A_101 = arith.constant dense<0.000000e+00> : vector<128x128xf32>
    %dot_general3A_102 = tpu.matmul %broadcast_in_dim3A_4, %add3A_98, %dot_general3A_101 {dimension_numbers = #tpu.dot_dimension_numbers<[1], [1], [0], [0], [0, 0, 1, 0], [], []>, precision = #tpu.contract_precision<fp32>, transpose_lhs_hint = false} : vector<128x1xf32>, vector<128x1xf32>, vector<128x128xf32> -> vector<128x128xf32>
    %add3A_103 = vector.broadcast %add3A_100 : vector<128x1xf32> to vector<128x128xf32>
    %add3A_104 = arith.addf %add3A_103, %dot_general3A_102 : vector<128x128xf32>
    %gt3A_105 = arith.constant 0.000000e+00 : f32
    %gt3A_106 = vector.broadcast %gt3A_105 : f32 to vector<128x128xf32>
    %gt3A_107 = arith.cmpf ogt, %add3A_104, %gt3A_106 : vector<128x128xf32>
    %mul3A_108 = arith.constant 2.000000e-01 : f32
    %mul3A_109 = vector.broadcast %mul3A_108 : f32 to vector<128x128xf32>
    %mul3A_110 = arith.mulf %mul3A_109, %add3A_104 : vector<128x128xf32>
    %select_n3A_111 = arith.select %gt3A_107, %add3A_104, %mul3A_110 : vector<128x128xi1>, vector<128x128xf32>
    %jit3A_112 = arith.constant -1.000000e+09 : f32
    %broadcast_in_dim3A_113 = vector.broadcast %jit3A_112 : f32 to vector<128x128xf32>
    %select_n3A_114 = arith.select %gt3A_3, %select_n3A_111, %broadcast_in_dim3A_113 : vector<128x128xi1>, vector<128x128xf32>
    %reduce_max3A_115 = arith.constant dense<0xFF800000> : vector<128xf32>
    %reduce_max3A_116 = vector.multi_reduction <maximumf>, %select_n3A_114, %reduce_max3A_115 [1] : vector<128x128xf32> to vector<128xf32>
    %broadcast_in_dim3A_117 = vector.shape_cast %reduce_max3A_116 : vector<128xf32> to vector<128x1xf32>
    %sub3A_118 = vector.broadcast %broadcast_in_dim3A_117 : vector<128x1xf32> to vector<128x128xf32>
    %sub3A_119 = arith.subf %select_n3A_114, %sub3A_118 : vector<128x128xf32>
    %exp3A_120 = math.exp %sub3A_119 : vector<128x128xf32>
    %mul3A_121 = arith.mulf %get3A_1, %exp3A_120 : vector<128x128xf32>
    %reduce_sum3A_122 = arith.constant dense<0.000000e+00> : vector<128xf32>
    %reduce_sum3A_123 = vector.multi_reduction <add>, %mul3A_121, %reduce_sum3A_122 [1] : vector<128x128xf32> to vector<128xf32>
    %broadcast_in_dim3A_124 = vector.shape_cast %reduce_sum3A_123 : vector<128xf32> to vector<128x1xf32>
    %add3A_125 = arith.constant 1.000000e-16 : f32
    %add3A_126 = vector.broadcast %add3A_125 : f32 to vector<128x1xf32>
    %add3A_127 = arith.addf %broadcast_in_dim3A_124, %add3A_126 : vector<128x1xf32>
    %div3A_128 = vector.broadcast %add3A_127 : vector<128x1xf32> to vector<128x128xf32>
    %div3A_129 = arith.divf %mul3A_121, %div3A_128 : vector<128x128xf32>
    %iota3A_130 = tpu.iota {dimensions = array<i32: 1>} : vector<1x12xi32>
    %ge3A_131 = arith.constant 6 : i32
    %ge3A_132 = vector.broadcast %ge3A_131 : i32 to vector<1x12xi32>
    %ge3A_133 = arith.cmpi sge, %iota3A_130, %ge3A_132 : vector<1x12xi32>
    %lt3A_134 = arith.constant 12 : i32
    %lt3A_135 = vector.broadcast %lt3A_134 : i32 to vector<1x12xi32>
    %lt3A_136 = arith.cmpi slt, %iota3A_130, %lt3A_135 : vector<1x12xi32>
    %and3A_137 = arith.andi %ge3A_133, %lt3A_136 : vector<1x12xi1>
    %convert_element_type3A_138 = arith.extui %and3A_137 : vector<1x12xi1> to vector<1x12xi32>
    %convert_element_type3A_139 = arith.sitofp %convert_element_type3A_138 : vector<1x12xi32> to vector<1x12xf32>
    %mul3A_140 = vector.broadcast %convert_element_type3A_139 : vector<1x12xf32> to vector<128x12xf32>
    %mul3A_141 = arith.mulf %dot_general3A_14, %mul3A_140 : vector<128x12xf32>
    %dot_general3A_142 = arith.constant dense<0.000000e+00> : vector<128x12xf32>
    %dot_general3A_143 = tpu.matmul %div3A_129, %mul3A_141, %dot_general3A_142 {dimension_numbers = #tpu.dot_dimension_numbers<[1], [0], [0], [1], [0, 0, 1, 1], [], []>, precision = #tpu.contract_precision<fp32>, transpose_lhs_hint = false} : vector<128x128xf32>, vector<128x12xf32>, vector<128x12xf32> -> vector<128x12xf32>
    %add3A_144 = arith.addf %add3A_78, %dot_general3A_143 : vector<128x12xf32>
    %get3A_145 = arith.constant 0 : index
    %get3A_146 = arith.constant 0 : index
    %get3A_147 = vector.load %arg11[%get3A_145, %get3A_146] : memref<1x12xf32, #tpu.memory_space<vmem>>, vector<1x12xf32>
    %add3A_148 = vector.broadcast %get3A_147 : vector<1x12xf32> to vector<128x12xf32>
    %add3A_149 = arith.addf %add3A_144, %add3A_148 : vector<128x12xf32>
    %gt3A_150 = arith.constant 0.000000e+00 : f32
    %gt3A_151 = vector.broadcast %gt3A_150 : f32 to vector<128x12xf32>
    %gt3A_152 = arith.cmpf ogt, %add3A_149, %gt3A_151 : vector<128x12xf32>
    %exp3A_153 = math.exp %add3A_149 : vector<128x12xf32>
    %sub3A_154 = arith.constant 1.000000e+00 : f32
    %sub3A_155 = vector.broadcast %sub3A_154 : f32 to vector<128x12xf32>
    %sub3A_156 = arith.subf %exp3A_153, %sub3A_155 : vector<128x12xf32>
    %select_n3A_157 = arith.select %gt3A_152, %add3A_149, %sub3A_156 : vector<128x12xi1>, vector<128x12xf32>
    %get3A_158 = arith.constant 0 : index
    %get3A_159 = arith.constant 0 : index
    %get3A_160 = vector.load %arg14[%get3A_158, %get3A_159] : memref<128x12xf32, #tpu.memory_space<vmem>>, vector<128x12xf32>
    %mul3A_161 = arith.mulf %select_n3A_157, %get3A_160 : vector<128x12xf32>
    %get3A_162 = arith.constant 0 : index
    %get3A_163 = arith.constant 0 : index
    %get3A_164 = vector.load %arg3[%get3A_162, %get3A_163] : memref<12x6xf32, #tpu.memory_space<vmem>>, vector<12x6xf32>
    %convert_element_type3A_165 = arith.truncf %mul3A_161 : vector<128x12xf32> to vector<128x12xbf16>
    %convert_element_type3A_166 = arith.truncf %get3A_164 : vector<12x6xf32> to vector<12x6xbf16>
    %dot_general3A_167 = arith.constant dense<0.000000e+00> : vector<128x6xf32>
    %dot_general3A_168 = tpu.matmul %convert_element_type3A_165, %convert_element_type3A_166, %dot_general3A_167 {dimension_numbers = #tpu.dot_dimension_numbers<[1], [0], [0], [1], [0, 0, 1, 1], [], []>, transpose_lhs_hint = false} : vector<128x12xbf16>, vector<12x6xbf16>, vector<128x6xf32> -> vector<128x6xf32>
    %get3A_169 = arith.constant 0 : index
    %get3A_170 = arith.constant 0 : index
    %get3A_171 = vector.load %arg7[%get3A_169, %get3A_170] : memref<1x6xf32, #tpu.memory_space<vmem>>, vector<1x6xf32>
    %mul3A_172 = vector.broadcast %get3A_171 : vector<1x6xf32> to vector<128x6xf32>
    %mul3A_173 = arith.mulf %dot_general3A_168, %mul3A_172 : vector<128x6xf32>
    %get3A_174 = arith.constant 0 : index
    %get3A_175 = arith.constant 0 : index
    %get3A_176 = vector.load %arg8[%get3A_174, %get3A_175] : memref<1x6xf32, #tpu.memory_space<vmem>>, vector<1x6xf32>
    %mul3A_177 = vector.broadcast %get3A_176 : vector<1x6xf32> to vector<128x6xf32>
    %mul3A_178 = arith.mulf %dot_general3A_168, %mul3A_177 : vector<128x6xf32>
    %broadcast_in_dim3A_179 = arith.constant 0.000000e+00 : f32
    %broadcast_in_dim3A_180 = vector.broadcast %broadcast_in_dim3A_179 : f32 to vector<128x6xf32>
    %slice3A_181 = vector.extract_strided_slice %mul3A_173 {offsets = [0, 0], sizes = [128, 1], strides = [1, 1]} : vector<128x6xf32> to vector<128x1xf32>
    %slice3A_182 = vector.extract_strided_slice %mul3A_178 {offsets = [0, 0], sizes = [128, 1], strides = [1, 1]} : vector<128x6xf32> to vector<128x1xf32>
    %slice3A_183 = vector.extract_strided_slice %mul3A_173 {offsets = [0, 1], sizes = [128, 1], strides = [1, 1]} : vector<128x6xf32> to vector<128x1xf32>
    %add3A_184 = arith.addf %slice3A_181, %slice3A_183 : vector<128x1xf32>
    %slice3A_185 = vector.extract_strided_slice %mul3A_178 {offsets = [0, 1], sizes = [128, 1], strides = [1, 1]} : vector<128x6xf32> to vector<128x1xf32>
    %add3A_186 = arith.addf %slice3A_182, %slice3A_185 : vector<128x1xf32>
    %slice3A_187 = vector.extract_strided_slice %mul3A_173 {offsets = [0, 2], sizes = [128, 1], strides = [1, 1]} : vector<128x6xf32> to vector<128x1xf32>
    %add3A_188 = arith.addf %add3A_184, %slice3A_187 : vector<128x1xf32>
    %slice3A_189 = vector.extract_strided_slice %mul3A_178 {offsets = [0, 2], sizes = [128, 1], strides = [1, 1]} : vector<128x6xf32> to vector<128x1xf32>
    %add3A_190 = arith.addf %add3A_186, %slice3A_189 : vector<128x1xf32>
    %dot_general3A_191 = arith.constant dense<0.000000e+00> : vector<128x128xf32>
    %dot_general3A_192 = tpu.matmul %broadcast_in_dim3A_4, %add3A_188, %dot_general3A_191 {dimension_numbers = #tpu.dot_dimension_numbers<[1], [1], [0], [0], [0, 0, 1, 0], [], []>, precision = #tpu.contract_precision<fp32>, transpose_lhs_hint = false} : vector<128x1xf32>, vector<128x1xf32>, vector<128x128xf32> -> vector<128x128xf32>
    %add3A_193 = vector.broadcast %add3A_190 : vector<128x1xf32> to vector<128x128xf32>
    %add3A_194 = arith.addf %add3A_193, %dot_general3A_192 : vector<128x128xf32>
    %gt3A_195 = arith.constant 0.000000e+00 : f32
    %gt3A_196 = vector.broadcast %gt3A_195 : f32 to vector<128x128xf32>
    %gt3A_197 = arith.cmpf ogt, %add3A_194, %gt3A_196 : vector<128x128xf32>
    %mul3A_198 = arith.constant 2.000000e-01 : f32
    %mul3A_199 = vector.broadcast %mul3A_198 : f32 to vector<128x128xf32>
    %mul3A_200 = arith.mulf %mul3A_199, %add3A_194 : vector<128x128xf32>
    %select_n3A_201 = arith.select %gt3A_197, %add3A_194, %mul3A_200 : vector<128x128xi1>, vector<128x128xf32>
    %jit3A_202 = arith.constant -1.000000e+09 : f32
    %broadcast_in_dim3A_203 = vector.broadcast %jit3A_202 : f32 to vector<128x128xf32>
    %select_n3A_204 = arith.select %gt3A_3, %select_n3A_201, %broadcast_in_dim3A_203 : vector<128x128xi1>, vector<128x128xf32>
    %reduce_max3A_205 = arith.constant dense<0xFF800000> : vector<128xf32>
    %reduce_max3A_206 = vector.multi_reduction <maximumf>, %select_n3A_204, %reduce_max3A_205 [1] : vector<128x128xf32> to vector<128xf32>
    %broadcast_in_dim3A_207 = vector.shape_cast %reduce_max3A_206 : vector<128xf32> to vector<128x1xf32>
    %sub3A_208 = vector.broadcast %broadcast_in_dim3A_207 : vector<128x1xf32> to vector<128x128xf32>
    %sub3A_209 = arith.subf %select_n3A_204, %sub3A_208 : vector<128x128xf32>
    %exp3A_210 = math.exp %sub3A_209 : vector<128x128xf32>
    %mul3A_211 = arith.mulf %get3A_1, %exp3A_210 : vector<128x128xf32>
    %reduce_sum3A_212 = arith.constant dense<0.000000e+00> : vector<128xf32>
    %reduce_sum3A_213 = vector.multi_reduction <add>, %mul3A_211, %reduce_sum3A_212 [1] : vector<128x128xf32> to vector<128xf32>
    %broadcast_in_dim3A_214 = vector.shape_cast %reduce_sum3A_213 : vector<128xf32> to vector<128x1xf32>
    %add3A_215 = arith.constant 1.000000e-16 : f32
    %add3A_216 = vector.broadcast %add3A_215 : f32 to vector<128x1xf32>
    %add3A_217 = arith.addf %broadcast_in_dim3A_214, %add3A_216 : vector<128x1xf32>
    %div3A_218 = vector.broadcast %add3A_217 : vector<128x1xf32> to vector<128x128xf32>
    %div3A_219 = arith.divf %mul3A_211, %div3A_218 : vector<128x128xf32>
    %iota3A_220 = tpu.iota {dimensions = array<i32: 1>} : vector<1x6xi32>
    %ge3A_221 = arith.constant 0 : i32
    %ge3A_222 = vector.broadcast %ge3A_221 : i32 to vector<1x6xi32>
    %ge3A_223 = arith.cmpi sge, %iota3A_220, %ge3A_222 : vector<1x6xi32>
    %lt3A_224 = arith.constant 3 : i32
    %lt3A_225 = vector.broadcast %lt3A_224 : i32 to vector<1x6xi32>
    %lt3A_226 = arith.cmpi slt, %iota3A_220, %lt3A_225 : vector<1x6xi32>
    %and3A_227 = arith.andi %ge3A_223, %lt3A_226 : vector<1x6xi1>
    %convert_element_type3A_228 = arith.extui %and3A_227 : vector<1x6xi1> to vector<1x6xi32>
    %convert_element_type3A_229 = arith.sitofp %convert_element_type3A_228 : vector<1x6xi32> to vector<1x6xf32>
    %mul3A_230 = vector.broadcast %convert_element_type3A_229 : vector<1x6xf32> to vector<128x6xf32>
    %mul3A_231 = arith.mulf %dot_general3A_168, %mul3A_230 : vector<128x6xf32>
    %dot_general3A_232 = arith.constant dense<0.000000e+00> : vector<128x6xf32>
    %dot_general3A_233 = tpu.matmul %div3A_219, %mul3A_231, %dot_general3A_232 {dimension_numbers = #tpu.dot_dimension_numbers<[1], [0], [0], [1], [0, 0, 1, 1], [], []>, precision = #tpu.contract_precision<fp32>, transpose_lhs_hint = false} : vector<128x128xf32>, vector<128x6xf32>, vector<128x6xf32> -> vector<128x6xf32>
    %add3A_234 = arith.addf %broadcast_in_dim3A_180, %dot_general3A_233 : vector<128x6xf32>
    %slice3A_235 = vector.extract_strided_slice %mul3A_173 {offsets = [0, 3], sizes = [128, 1], strides = [1, 1]} : vector<128x6xf32> to vector<128x1xf32>
    %slice3A_236 = vector.extract_strided_slice %mul3A_178 {offsets = [0, 3], sizes = [128, 1], strides = [1, 1]} : vector<128x6xf32> to vector<128x1xf32>
    %slice3A_237 = vector.extract_strided_slice %mul3A_173 {offsets = [0, 4], sizes = [128, 1], strides = [1, 1]} : vector<128x6xf32> to vector<128x1xf32>
    %add3A_238 = arith.addf %slice3A_235, %slice3A_237 : vector<128x1xf32>
    %slice3A_239 = vector.extract_strided_slice %mul3A_178 {offsets = [0, 4], sizes = [128, 1], strides = [1, 1]} : vector<128x6xf32> to vector<128x1xf32>
    %add3A_240 = arith.addf %slice3A_236, %slice3A_239 : vector<128x1xf32>
    %slice3A_241 = vector.extract_strided_slice %mul3A_173 {offsets = [0, 5], sizes = [128, 1], strides = [1, 1]} : vector<128x6xf32> to vector<128x1xf32>
    %add3A_242 = arith.addf %add3A_238, %slice3A_241 : vector<128x1xf32>
    %slice3A_243 = vector.extract_strided_slice %mul3A_178 {offsets = [0, 5], sizes = [128, 1], strides = [1, 1]} : vector<128x6xf32> to vector<128x1xf32>
    %add3A_244 = arith.addf %add3A_240, %slice3A_243 : vector<128x1xf32>
    %dot_general3A_245 = arith.constant dense<0.000000e+00> : vector<128x128xf32>
    %dot_general3A_246 = tpu.matmul %broadcast_in_dim3A_4, %add3A_242, %dot_general3A_245 {dimension_numbers = #tpu.dot_dimension_numbers<[1], [1], [0], [0], [0, 0, 1, 0], [], []>, precision = #tpu.contract_precision<fp32>, transpose_lhs_hint = false} : vector<128x1xf32>, vector<128x1xf32>, vector<128x128xf32> -> vector<128x128xf32>
    %add3A_247 = vector.broadcast %add3A_244 : vector<128x1xf32> to vector<128x128xf32>
    %add3A_248 = arith.addf %add3A_247, %dot_general3A_246 : vector<128x128xf32>
    %gt3A_249 = arith.constant 0.000000e+00 : f32
    %gt3A_250 = vector.broadcast %gt3A_249 : f32 to vector<128x128xf32>
    %gt3A_251 = arith.cmpf ogt, %add3A_248, %gt3A_250 : vector<128x128xf32>
    %mul3A_252 = arith.constant 2.000000e-01 : f32
    %mul3A_253 = vector.broadcast %mul3A_252 : f32 to vector<128x128xf32>
    %mul3A_254 = arith.mulf %mul3A_253, %add3A_248 : vector<128x128xf32>
    %select_n3A_255 = arith.select %gt3A_251, %add3A_248, %mul3A_254 : vector<128x128xi1>, vector<128x128xf32>
    %jit3A_256 = arith.constant -1.000000e+09 : f32
    %broadcast_in_dim3A_257 = vector.broadcast %jit3A_256 : f32 to vector<128x128xf32>
    %select_n3A_258 = arith.select %gt3A_3, %select_n3A_255, %broadcast_in_dim3A_257 : vector<128x128xi1>, vector<128x128xf32>
    %reduce_max3A_259 = arith.constant dense<0xFF800000> : vector<128xf32>
    %reduce_max3A_260 = vector.multi_reduction <maximumf>, %select_n3A_258, %reduce_max3A_259 [1] : vector<128x128xf32> to vector<128xf32>
    %broadcast_in_dim3A_261 = vector.shape_cast %reduce_max3A_260 : vector<128xf32> to vector<128x1xf32>
    %sub3A_262 = vector.broadcast %broadcast_in_dim3A_261 : vector<128x1xf32> to vector<128x128xf32>
    %sub3A_263 = arith.subf %select_n3A_258, %sub3A_262 : vector<128x128xf32>
    %exp3A_264 = math.exp %sub3A_263 : vector<128x128xf32>
    %mul3A_265 = arith.mulf %get3A_1, %exp3A_264 : vector<128x128xf32>
    %reduce_sum3A_266 = arith.constant dense<0.000000e+00> : vector<128xf32>
    %reduce_sum3A_267 = vector.multi_reduction <add>, %mul3A_265, %reduce_sum3A_266 [1] : vector<128x128xf32> to vector<128xf32>
    %broadcast_in_dim3A_268 = vector.shape_cast %reduce_sum3A_267 : vector<128xf32> to vector<128x1xf32>
    %add3A_269 = arith.constant 1.000000e-16 : f32
    %add3A_270 = vector.broadcast %add3A_269 : f32 to vector<128x1xf32>
    %add3A_271 = arith.addf %broadcast_in_dim3A_268, %add3A_270 : vector<128x1xf32>
    %div3A_272 = vector.broadcast %add3A_271 : vector<128x1xf32> to vector<128x128xf32>
    %div3A_273 = arith.divf %mul3A_265, %div3A_272 : vector<128x128xf32>
    %iota3A_274 = tpu.iota {dimensions = array<i32: 1>} : vector<1x6xi32>
    %ge3A_275 = arith.constant 3 : i32
    %ge3A_276 = vector.broadcast %ge3A_275 : i32 to vector<1x6xi32>
    %ge3A_277 = arith.cmpi sge, %iota3A_274, %ge3A_276 : vector<1x6xi32>
    %lt3A_278 = arith.constant 6 : i32
    %lt3A_279 = vector.broadcast %lt3A_278 : i32 to vector<1x6xi32>
    %lt3A_280 = arith.cmpi slt, %iota3A_274, %lt3A_279 : vector<1x6xi32>
    %and3A_281 = arith.andi %ge3A_277, %lt3A_280 : vector<1x6xi1>
    %convert_element_type3A_282 = arith.extui %and3A_281 : vector<1x6xi1> to vector<1x6xi32>
    %convert_element_type3A_283 = arith.sitofp %convert_element_type3A_282 : vector<1x6xi32> to vector<1x6xf32>
    %mul3A_284 = vector.broadcast %convert_element_type3A_283 : vector<1x6xf32> to vector<128x6xf32>
    %mul3A_285 = arith.mulf %dot_general3A_168, %mul3A_284 : vector<128x6xf32>
    %dot_general3A_286 = arith.constant dense<0.000000e+00> : vector<128x6xf32>
    %dot_general3A_287 = tpu.matmul %div3A_273, %mul3A_285, %dot_general3A_286 {dimension_numbers = #tpu.dot_dimension_numbers<[1], [0], [0], [1], [0, 0, 1, 1], [], []>, precision = #tpu.contract_precision<fp32>, transpose_lhs_hint = false} : vector<128x128xf32>, vector<128x6xf32>, vector<128x6xf32> -> vector<128x6xf32>
    %add3A_288 = arith.addf %add3A_234, %dot_general3A_287 : vector<128x6xf32>
    %get3A_289 = arith.constant 0 : index
    %get3A_290 = arith.constant 0 : index
    %get3A_291 = vector.load %arg12[%get3A_289, %get3A_290] : memref<1x6xf32, #tpu.memory_space<vmem>>, vector<1x6xf32>
    %add3A_292 = vector.broadcast %get3A_291 : vector<1x6xf32> to vector<128x6xf32>
    %add3A_293 = arith.addf %add3A_288, %add3A_292 : vector<128x6xf32>
    %gt3A_294 = arith.constant 0.000000e+00 : f32
    %gt3A_295 = vector.broadcast %gt3A_294 : f32 to vector<128x6xf32>
    %gt3A_296 = arith.cmpf ogt, %add3A_293, %gt3A_295 : vector<128x6xf32>
    %exp3A_297 = math.exp %add3A_293 : vector<128x6xf32>
    %sub3A_298 = arith.constant 1.000000e+00 : f32
    %sub3A_299 = vector.broadcast %sub3A_298 : f32 to vector<128x6xf32>
    %sub3A_300 = arith.subf %exp3A_297, %sub3A_299 : vector<128x6xf32>
    %select_n3A_301 = arith.select %gt3A_296, %add3A_293, %sub3A_300 : vector<128x6xi1>, vector<128x6xf32>
    %get3A_302 = arith.constant 0 : index
    %get3A_303 = arith.constant 0 : index
    %get3A_304 = vector.load %arg15[%get3A_302, %get3A_303] : memref<128x6xf32, #tpu.memory_space<vmem>>, vector<128x6xf32>
    %mul3A_305 = arith.mulf %select_n3A_301, %get3A_304 : vector<128x6xf32>
    %get3A_306 = arith.constant 0 : index
    %get3A_307 = arith.constant 0 : index
    %get3A_308 = vector.load %arg4[%get3A_306, %get3A_307] : memref<6x1xf32, #tpu.memory_space<vmem>>, vector<6x1xf32>
    %convert_element_type3A_309 = arith.truncf %mul3A_305 : vector<128x6xf32> to vector<128x6xbf16>
    %convert_element_type3A_310 = arith.truncf %get3A_308 : vector<6x1xf32> to vector<6x1xbf16>
    %dot_general3A_311 = arith.constant dense<0.000000e+00> : vector<128x1xf32>
    %dot_general3A_312 = tpu.matmul %convert_element_type3A_309, %convert_element_type3A_310, %dot_general3A_311 {dimension_numbers = #tpu.dot_dimension_numbers<[1], [0], [0], [1], [0, 0, 1, 1], [], []>, transpose_lhs_hint = false} : vector<128x6xbf16>, vector<6x1xbf16>, vector<128x1xf32> -> vector<128x1xf32>
    %get3A_313 = arith.constant 0 : index
    %get3A_314 = arith.constant 0 : index
    %get3A_315 = vector.load %arg9[%get3A_313, %get3A_314] : memref<1x1xf32, #tpu.memory_space<vmem>>, vector<1x1xf32>
    %mul3A_316 = vector.broadcast %get3A_315 : vector<1x1xf32> to vector<128x1xf32>
    %mul3A_317 = arith.mulf %dot_general3A_312, %mul3A_316 : vector<128x1xf32>
    %get3A_318 = arith.constant 0 : index
    %get3A_319 = arith.constant 0 : index
    %get3A_320 = vector.load %arg10[%get3A_318, %get3A_319] : memref<1x1xf32, #tpu.memory_space<vmem>>, vector<1x1xf32>
    %mul3A_321 = vector.broadcast %get3A_320 : vector<1x1xf32> to vector<128x1xf32>
    %mul3A_322 = arith.mulf %dot_general3A_312, %mul3A_321 : vector<128x1xf32>
    %broadcast_in_dim3A_323 = arith.constant 0.000000e+00 : f32
    %broadcast_in_dim3A_324 = vector.broadcast %broadcast_in_dim3A_323 : f32 to vector<128x1xf32>
    %dot_general3A_325 = arith.constant dense<0.000000e+00> : vector<128x128xf32>
    %dot_general3A_326 = tpu.matmul %broadcast_in_dim3A_4, %mul3A_317, %dot_general3A_325 {dimension_numbers = #tpu.dot_dimension_numbers<[1], [1], [0], [0], [0, 0, 1, 0], [], []>, precision = #tpu.contract_precision<fp32>, transpose_lhs_hint = false} : vector<128x1xf32>, vector<128x1xf32>, vector<128x128xf32> -> vector<128x128xf32>
    %add3A_327 = vector.broadcast %mul3A_322 : vector<128x1xf32> to vector<128x128xf32>
    %add3A_328 = arith.addf %add3A_327, %dot_general3A_326 : vector<128x128xf32>
    %gt3A_329 = arith.constant 0.000000e+00 : f32
    %gt3A_330 = vector.broadcast %gt3A_329 : f32 to vector<128x128xf32>
    %gt3A_331 = arith.cmpf ogt, %add3A_328, %gt3A_330 : vector<128x128xf32>
    %mul3A_332 = arith.constant 2.000000e-01 : f32
    %mul3A_333 = vector.broadcast %mul3A_332 : f32 to vector<128x128xf32>
    %mul3A_334 = arith.mulf %mul3A_333, %add3A_328 : vector<128x128xf32>
    %select_n3A_335 = arith.select %gt3A_331, %add3A_328, %mul3A_334 : vector<128x128xi1>, vector<128x128xf32>
    %jit3A_336 = arith.constant -1.000000e+09 : f32
    %broadcast_in_dim3A_337 = vector.broadcast %jit3A_336 : f32 to vector<128x128xf32>
    %select_n3A_338 = arith.select %gt3A_3, %select_n3A_335, %broadcast_in_dim3A_337 : vector<128x128xi1>, vector<128x128xf32>
    %reduce_max3A_339 = arith.constant dense<0xFF800000> : vector<128xf32>
    %reduce_max3A_340 = vector.multi_reduction <maximumf>, %select_n3A_338, %reduce_max3A_339 [1] : vector<128x128xf32> to vector<128xf32>
    %broadcast_in_dim3A_341 = vector.shape_cast %reduce_max3A_340 : vector<128xf32> to vector<128x1xf32>
    %sub3A_342 = vector.broadcast %broadcast_in_dim3A_341 : vector<128x1xf32> to vector<128x128xf32>
    %sub3A_343 = arith.subf %select_n3A_338, %sub3A_342 : vector<128x128xf32>
    %exp3A_344 = math.exp %sub3A_343 : vector<128x128xf32>
    %mul3A_345 = arith.mulf %get3A_1, %exp3A_344 : vector<128x128xf32>
    %reduce_sum3A_346 = arith.constant dense<0.000000e+00> : vector<128xf32>
    %reduce_sum3A_347 = vector.multi_reduction <add>, %mul3A_345, %reduce_sum3A_346 [1] : vector<128x128xf32> to vector<128xf32>
    %broadcast_in_dim3A_348 = vector.shape_cast %reduce_sum3A_347 : vector<128xf32> to vector<128x1xf32>
    %add3A_349 = arith.constant 1.000000e-16 : f32
    %add3A_350 = vector.broadcast %add3A_349 : f32 to vector<128x1xf32>
    %add3A_351 = arith.addf %broadcast_in_dim3A_348, %add3A_350 : vector<128x1xf32>
    %div3A_352 = vector.broadcast %add3A_351 : vector<128x1xf32> to vector<128x128xf32>
    %div3A_353 = arith.divf %mul3A_345, %div3A_352 : vector<128x128xf32>
    %iota3A_354 = tpu.iota {dimensions = array<i32: 1>} : vector<1x1xi32>
    %ge3A_355 = arith.constant 0 : i32
    %ge3A_356 = vector.broadcast %ge3A_355 : i32 to vector<1x1xi32>
    %ge3A_357 = arith.cmpi sge, %iota3A_354, %ge3A_356 : vector<1x1xi32>
    %lt3A_358 = arith.constant 1 : i32
    %lt3A_359 = vector.broadcast %lt3A_358 : i32 to vector<1x1xi32>
    %lt3A_360 = arith.cmpi slt, %iota3A_354, %lt3A_359 : vector<1x1xi32>
    %and3A_361 = arith.andi %ge3A_357, %lt3A_360 : vector<1x1xi1>
    %convert_element_type3A_362 = arith.extui %and3A_361 : vector<1x1xi1> to vector<1x1xi32>
    %convert_element_type3A_363 = arith.sitofp %convert_element_type3A_362 : vector<1x1xi32> to vector<1x1xf32>
    %mul3A_364 = vector.broadcast %convert_element_type3A_363 : vector<1x1xf32> to vector<128x1xf32>
    %mul3A_365 = arith.mulf %dot_general3A_312, %mul3A_364 : vector<128x1xf32>
    %dot_general3A_366 = arith.constant dense<0.000000e+00> : vector<128x1xf32>
    %dot_general3A_367 = tpu.matmul %div3A_353, %mul3A_365, %dot_general3A_366 {dimension_numbers = #tpu.dot_dimension_numbers<[1], [0], [0], [1], [0, 0, 1, 1], [], []>, precision = #tpu.contract_precision<fp32>, transpose_lhs_hint = false} : vector<128x128xf32>, vector<128x1xf32>, vector<128x1xf32> -> vector<128x1xf32>
    %add3A_368 = arith.addf %broadcast_in_dim3A_324, %dot_general3A_367 : vector<128x1xf32>
    %get3A_369 = arith.constant 0 : index
    %get3A_370 = arith.constant 0 : index
    %get3A_371 = vector.load %arg13[%get3A_369, %get3A_370] : memref<1x1xf32, #tpu.memory_space<vmem>>, vector<1x1xf32>
    %add3A_372 = vector.broadcast %get3A_371 : vector<1x1xf32> to vector<128x1xf32>
    %add3A_373 = arith.addf %add3A_368, %add3A_372 : vector<128x1xf32>
    %iota3A_374 = tpu.iota {dimensions = array<i32: 0>} : vector<128x1xi32>
    %lt3A_375 = arith.constant 97 : i32
    %lt3A_376 = vector.broadcast %lt3A_375 : i32 to vector<128x1xi32>
    %lt3A_377 = arith.cmpi slt, %iota3A_374, %lt3A_376 : vector<128x1xi32>
    %jit3A_378 = arith.constant 0.000000e+00 : f32
    %broadcast_in_dim3A_379 = vector.broadcast %jit3A_378 : f32 to vector<128x1xf32>
    %select_n3A_380 = arith.select %lt3A_377, %add3A_373, %broadcast_in_dim3A_379 : vector<128x1xi1>, vector<128x1xf32>
    %slice3A_381 = vector.extract_strided_slice %select_n3A_380 {offsets = [0, 0], sizes = [97, 1], strides = [1, 1]} : vector<128x1xf32> to vector<97x1xf32>
    %get3A_382 = arith.constant 0 : index
    %get3A_383 = arith.constant 0 : index
    %get3A_384 = vector.load %arg16[%get3A_382, %get3A_383] : memref<97x128xf32, #tpu.memory_space<vmem>>, vector<97x128xf32>
    %convert_element_type3A_385 = arith.truncf %slice3A_381 : vector<97x1xf32> to vector<97x1xbf16>
    %convert_element_type3A_386 = arith.truncf %get3A_384 : vector<97x128xf32> to vector<97x128xbf16>
    %dot_general3A_387 = arith.constant dense<0.000000e+00> : vector<1x128xf32>
    %dot_general3A_388 = tpu.matmul %convert_element_type3A_385, %convert_element_type3A_386, %dot_general3A_387 {dimension_numbers = #tpu.dot_dimension_numbers<[0], [0], [1], [1], [0, 1, 1, 1], [], []>, transpose_lhs_hint = false} : vector<97x1xbf16>, vector<97x128xbf16>, vector<1x128xf32> -> vector<1x128xf32>
    %get3A_389 = arith.constant 0 : index
    %get3A_390 = arith.constant 0 : index
    %get3A_391 = vector.load %arg20[%get3A_389, %get3A_390] : memref<1x128xf32, #tpu.memory_space<vmem>>, vector<1x128xf32>
    %add3A_392 = arith.addf %dot_general3A_388, %get3A_391 : vector<1x128xf32>
    %get3A_393 = arith.constant 0 : index
    %get3A_394 = arith.constant 0 : index
    %get3A_395 = vector.load %arg17[%get3A_393, %get3A_394] : memref<128x64xf32, #tpu.memory_space<vmem>>, vector<128x64xf32>
    %convert_element_type3A_396 = arith.truncf %add3A_392 : vector<1x128xf32> to vector<1x128xbf16>
    %convert_element_type3A_397 = arith.truncf %get3A_395 : vector<128x64xf32> to vector<128x64xbf16>
    %dot_general3A_398 = arith.constant dense<0.000000e+00> : vector<1x64xf32>
    %dot_general3A_399 = tpu.matmul %convert_element_type3A_396, %convert_element_type3A_397, %dot_general3A_398 {dimension_numbers = #tpu.dot_dimension_numbers<[1], [0], [0], [1], [0, 0, 1, 1], [], []>, transpose_lhs_hint = false} : vector<1x128xbf16>, vector<128x64xbf16>, vector<1x64xf32> -> vector<1x64xf32>
    %get3A_400 = arith.constant 0 : index
    %get3A_401 = arith.constant 0 : index
    %get3A_402 = vector.load %arg21[%get3A_400, %get3A_401] : memref<1x64xf32, #tpu.memory_space<vmem>>, vector<1x64xf32>
    %add3A_403 = arith.addf %dot_general3A_399, %get3A_402 : vector<1x64xf32>
    %get3A_404 = arith.constant 0 : index
    %get3A_405 = arith.constant 0 : index
    %get3A_406 = vector.load %arg24[%get3A_404, %get3A_405] : memref<1x64xf32, #tpu.memory_space<vmem>>, vector<1x64xf32>
    %gt3A_407 = arith.constant 0.000000e+00 : f32
    %gt3A_408 = vector.broadcast %gt3A_407 : f32 to vector<1x64xf32>
    %gt3A_409 = arith.cmpf ogt, %get3A_406, %gt3A_408 : vector<1x64xf32>
    %tanh3A = math.tanh %add3A_403 : vector<1x64xf32>
    %jit3A_410 = arith.constant -9.999990e+05 : f32
    %broadcast_in_dim3A_411 = vector.broadcast %jit3A_410 : f32 to vector<1x64xf32>
    %select_n3A_412 = arith.select %gt3A_409, %tanh3A, %broadcast_in_dim3A_411 : vector<1x64xi1>, vector<1x64xf32>
    %reduce_max3A_413 = arith.constant dense<0xFF800000> : vector<1xf32>
    %reduce_max3A_414 = vector.multi_reduction <maximumf>, %select_n3A_412, %reduce_max3A_413 [1] : vector<1x64xf32> to vector<1xf32>
    %broadcast_in_dim3A_415 = vector.shape_cast %reduce_max3A_414 : vector<1xf32> to vector<1x1xf32>
    %sub3A_416 = vector.broadcast %broadcast_in_dim3A_415 : vector<1x1xf32> to vector<1x64xf32>
    %sub3A_417 = arith.subf %select_n3A_412, %sub3A_416 : vector<1x64xf32>
    %exp3A_418 = math.exp %sub3A_417 : vector<1x64xf32>
    %reduce_sum3A_419 = arith.constant dense<0.000000e+00> : vector<1xf32>
    %reduce_sum3A_420 = vector.multi_reduction <add>, %exp3A_418, %reduce_sum3A_419 [1] : vector<1x64xf32> to vector<1xf32>
    %broadcast_in_dim3A_421 = vector.shape_cast %reduce_sum3A_420 : vector<1xf32> to vector<1x1xf32>
    %div3A_422 = vector.broadcast %broadcast_in_dim3A_421 : vector<1x1xf32> to vector<1x64xf32>
    %div3A_423 = arith.divf %exp3A_418, %div3A_422 : vector<1x64xf32>
    %swap3A = arith.constant 0 : index
    %swap3A_424 = arith.constant 0 : index
    %swap3A_425 = vector.load %arg26[%swap3A, %swap3A_424] : memref<1x64xf32, #tpu.memory_space<vmem>>, vector<1x64xf32>
    tpu.vector_store %arg26[%swap3A, %swap3A_424], %div3A_423 {strides = array<i32>} : memref<1x64xf32, #tpu.memory_space<vmem>>, vector<1x64xf32>,
    %get3A_426 = arith.constant 0 : index
    %get3A_427 = arith.constant 0 : index
    %get3A_428 = vector.load %arg18[%get3A_426, %get3A_427] : memref<97x64xf32, #tpu.memory_space<vmem>>, vector<97x64xf32>
    %convert_element_type3A_429 = arith.truncf %slice3A_381 : vector<97x1xf32> to vector<97x1xbf16>
    %convert_element_type3A_430 = arith.truncf %get3A_428 : vector<97x64xf32> to vector<97x64xbf16>
    %dot_general3A_431 = arith.constant dense<0.000000e+00> : vector<1x64xf32>
    %dot_general3A_432 = tpu.matmul %convert_element_type3A_429, %convert_element_type3A_430, %dot_general3A_431 {dimension_numbers = #tpu.dot_dimension_numbers<[0], [0], [1], [1], [0, 1, 1, 1], [], []>, transpose_lhs_hint = false} : vector<97x1xbf16>, vector<97x64xbf16>, vector<1x64xf32> -> vector<1x64xf32>
    %get3A_433 = arith.constant 0 : index
    %get3A_434 = arith.constant 0 : index
    %get3A_435 = vector.load %arg22[%get3A_433, %get3A_434] : memref<1x64xf32, #tpu.memory_space<vmem>>, vector<1x64xf32>
    %add3A_436 = arith.addf %dot_general3A_432, %get3A_435 : vector<1x64xf32>
    %get3A_437 = arith.constant 0 : index
    %get3A_438 = arith.constant 0 : index
    %get3A_439 = vector.load %arg19[%get3A_437, %get3A_438] : memref<64x1xf32, #tpu.memory_space<vmem>>, vector<64x1xf32>
    %dot_general3A_440 = arith.constant dense<0.000000e+00> : vector<1x1xf32>
    %dot_general3A_441 = tpu.matmul %add3A_436, %get3A_439, %dot_general3A_440 {dimension_numbers = #tpu.dot_dimension_numbers<[1], [0], [0], [1], [0, 0, 1, 1], [], []>, precision = #tpu.contract_precision<fp32>, transpose_lhs_hint = false} : vector<1x64xf32>, vector<64x1xf32>, vector<1x1xf32> -> vector<1x1xf32>
    %get3A_442 = arith.constant 0 : index
    %get3A_443 = arith.constant 0 : index
    %get3A_444 = vector.load %arg23[%get3A_442, %get3A_443] : memref<1x1xf32, #tpu.memory_space<vmem>>, vector<1x1xf32>
    %add3A_445 = arith.addf %dot_general3A_441, %get3A_444 : vector<1x1xf32>
    %swap3A_446 = arith.constant 0 : index
    %swap3A_447 = arith.constant 0 : index
    %swap3A_448 = vector.load %arg27[%swap3A_446, %swap3A_447] : memref<1x1xf32, #tpu.memory_space<vmem>>, vector<1x1xf32>
    tpu.vector_store %arg27[%swap3A_446, %swap3A_447], %add3A_445 {strides = array<i32>} : memref<1x1xf32, #tpu.memory_space<vmem>>, vector<1x1xf32>,
    %add3A_449 = arith.constant 9.99999968E-21 : f32
    %add3A_450 = vector.broadcast %add3A_449 : f32 to vector<1x64xf32>
    %add3A_451 = arith.addf %div3A_423, %add3A_450 : vector<1x64xf32>
    %log3A = math.log %add3A_451 : vector<1x64xf32>
    %get3A_452 = arith.constant 0 : index
    %get3A_453 = arith.constant 0 : index
    %get3A_454 = vector.load %arg25[%get3A_452, %get3A_453] : memref<1x64xf32, #tpu.memory_space<vmem>>, vector<1x64xf32>
    %add3A_455 = arith.addf %log3A, %get3A_454 : vector<1x64xf32>
    %reduce_max3A_456 = arith.constant dense<0xFF800000> : vector<1xf32>
    %reduce_max3A_457 = vector.multi_reduction <maximumf>, %add3A_455, %reduce_max3A_456 [1] : vector<1x64xf32> to vector<1xf32>
    %broadcast_in_dim3A_458 = vector.shape_cast %reduce_max3A_457 : vector<1xf32> to vector<1x1xf32>
    %iota3A_459 = tpu.iota {dimensions = array<i32: 1>} : vector<1x64xi32>
    %eq3A = vector.broadcast %broadcast_in_dim3A_458 : vector<1x1xf32> to vector<1x64xf32>
    %eq3A_460 = arith.cmpf oeq, %add3A_455, %eq3A : vector<1x64xf32>
    %jit3A_461 = arith.constant 1073741824 : i32
    %broadcast_in_dim3A_462 = vector.broadcast %jit3A_461 : i32 to vector<1x64xi32>
    %select_n3A_463 = arith.select %eq3A_460, %iota3A_459, %broadcast_in_dim3A_462 : vector<1x64xi1>, vector<1x64xi32>
    %reduce_min3A = arith.constant dense<2147483647> : vector<1xi32>
    %reduce_min3A_464 = vector.multi_reduction <minsi>, %select_n3A_463, %reduce_min3A [1] : vector<1x64xi32> to vector<1xi32>
    %broadcast_in_dim3A_465 = vector.shape_cast %reduce_min3A_464 : vector<1xi32> to vector<1x1xi32>
    %swap3A_466 = arith.constant 0 : index
    %swap3A_467 = arith.constant 0 : index
    %swap3A_468 = vector.load %arg28[%swap3A_466, %swap3A_467] : memref<1x1xi32, #tpu.memory_space<vmem>>, vector<1x1xi32>
    tpu.vector_store %arg28[%swap3A_466, %swap3A_467], %broadcast_in_dim3A_465 {strides = array<i32>} : memref<1x1xi32, #tpu.memory_space<vmem>>, vector<1x1xi32>,
    return
  }
}

</mosaic_0001>

<sc_bundles>
// kernel: kernel.4.cloned.1.call-start
scs
__scs_entry_jumppad:
0x0: {  	(pc) =	sbr.rel $0x88, $3  }
0x1: {  	(tag) =	ssettag $0x0;
	lr =	simm.s32 $0x1  }
0x2: {  	[smem:$0x3F8A] =	sst lr;
	_ =	strace $0xD0000000  }
0x3: {  	_ = 	snop  }
0x4: {  	_ = 	snop  }
0x5: {  	_ = 	snop  }
0x6: {  	_ = 	snop  }
0x7: {  	_ = 	snop  }
__scs_overlays_trampoline_lowered:
0x8: {  	[smem:$0x3F99] =	sst s0  }
0x9: {  	[smem:$0x3F9A] =	sst s1  }
0xa: {  	[smem:$0x3F9B] =	sst s2  }
0xb: {  	[smem:$0x3F9C] =	sst s3  }
0xc: {  	[smem:$0x3F9D] =	sst s4  }
0xd: {  	[smem:$0x3F9E] =	sst s5  }
0xe: {  	[smem:$0x3F9F] =	sst s6  }
0xf: {  	[smem:$0x3FA0] =	sst s7  }
0x10: {  	[smem:$0x3FA1] =	sst s8  }
0x11: {  	[smem:$0x3FA2] =	sst s9;
	s0 =	simm.s32 @!p0 $0x0  }
0x12: {  	s1 =	sld [smem:$0x3F88];
	s0 =	simm.s32 @p0 $0x1  }
0x13: {  	[smem:$0x3FA3] =	sst s0;
	s0 =	simm.s32 @!p1 $0x0  }
0x14: {  	s2 =	sld [smem:$0x3F87];
	s0 =	simm.s32 @p1 $0x1  }
0x15: {  	[smem:$0x3FA4] =	sst s0;
	s0 =	simm.s32 @!p2 $0x0  }
0x16: {  	s3 =	sld [smem:$0x3FDB];
	s0 =	simm.s32 @p2 $0x1  }
0x17: {  	s4 =	simm.s32 $0x1BF5;
	[smem:$0x3FA6] =	sst s0  }
0x18: {  	s0 =	sld [smem:$0x3F89];
	_ =	swait.ge [sflag:s4], $0x0  }
0x19: {  	s7 =	sld [smem:$0x3F8A]  }
0x1a: {  	s8 =	sadd.s32 $0xFFFFE003, lr  }
0x1b: {  	s9 =	sadd.s32 $0xFFFFFEF7, lr;
	s5 =	simm.s32 $0xFFFFFFFF;
	p2 =	slt.u32 s8, $0xFFFFF086  }
0x1c: {  	p1 =	slt.u32 s9, $0xF7A;
	s5 =	simm.s32 @!p2 $0x0  }
0x1d: {  	s5 =	simm.s32 @p1 $0x1;
	p0 =	seq.s32 s7, s2  }
0x1e: {  	s7 =	smul.u32 @!p0 $0xF7A, s2;
	p2 =	seq.s32 @!p0 s5, $0x0  }
0x1f: {  	s9 =	smul.u32 $0xF7A, s1;
	s8 =	simm.s32 @!p0 $0x1BF5;
	p2 =	por !p2, p0  }
0x20: {  	[sflag:s8] =	ssyncset.s32 @!p0 $0xFFFFF086;
	s6 =	sadd.s32 @!p0 s3, s7;
	s7 =	simm.s32 @!p0 $0x108  }
0x21: {  	s3 =	sadd.s32 s3, s9;
	s6 =	sadd.s32 @!p0 $0x88, s6;
	s7 =	simm.s32 @p2 $0x1082  }
0x22: {  	[simem:s7], [sflag:s8] =	dma.local @!p0 [hbm:s6], $0xF7A  }
0x23: {  	s9 =	sor.u32 $0xD0000000, s2;
	s6 =	simm.s32 $0x108;
	_ =	swait.ge @!p0 [sflag:s8], $0x0  }
0x24: {  	s3 =	sadd.s32 $0x88, s3;
	s6 =	simm.s32 @!p1 $0x1082;
	[sflag:s4] =	ssyncset.s32 $0xFFFFF086  }
0x25: {  	[simem:s6], [sflag:s4] =	dma.local [hbm:s3], $0xF7A  }
0x26: {  	[smem:$0x3F8A] =	sst s1;
	(tag) =	ssettag s2;
	_ =	strace s9  }
0x27: {  	s1 =	sld [smem:$0x3F9A]  }
0x28: {  	s2 =	sld [smem:$0x3F9B]  }
0x29: {  	s4 =	sld [smem:$0x3F9D]  }
0x2a: {  	p0 =	seq.s32 s5, $0x0;
	s5 =	sld [smem:$0x3F9E]  }
0x2b: {  	s6 =	sld [smem:$0x3F9F]  }
0x2c: {  	s7 =	sld [smem:$0x3FA0]  }
0x2d: {  	s3 =	simm.s32 $0x108;
	s8 =	sld [smem:$0x3FA1]  }
0x2e: {  	s3 =	simm.s32 @!p0 $0x1082;
	s9 =	sld [smem:$0x3FA2]  }
0x2f: {  	lr =	sadd.s32 s0, s3;
	s0 =	sld [smem:$0x3F99]  }
0x30: {  	s3 =	sld [smem:$0x3F9C]  }
0x31: {  	[smem:$0x3FA5] =	sst s10  }
0x32: {  	s10 =	sld [smem:$0x3FA3];
	_ =	sdelay $0x3  }
0x33: {  	p0 =	seq.s32 s10, $0x1;
	s10 =	sld [smem:$0x3FA5];
	_ =	sdelay $0x3  }
0x34: {  	[smem:$0x3FA5] =	sst s10  }
0x35: {  	s10 =	sld [smem:$0x3FA4];
	_ =	sdelay $0x3  }
0x36: {  	p1 =	seq.s32 s10, $0x1;
	s10 =	sld [smem:$0x3FA5];
	_ =	sdelay $0x3  }
0x37: {  	[smem:$0x3FA5] =	sst s10  }
0x38: {  	s10 =	sld [smem:$0x3FA6]  }
0x39: {  	_ = 	snop;
	(pc) =	sbr.ind lr, $3  }
0x3a: {  	_ = 	snop  }
0x3b: {  	_ = 	snop  }
0x3c: {  	p2 =	seq.s32 s10, $0x1;
	s10 =	sld [smem:$0x3FA5]  }
0x3d: {  	_ =	shalt  }
0x3e: {  	_ =	shalt  }
0x3f: {  	_ =	shalt  }
0x40: {  	_ =	shalt  }
0x41: {  	_ =	shalt  }
0x42: {  	_ =	shalt  }
0x43: {  	_ =	shalt  }
0x44: {  	_ =	shalt  }
0x45: {  	_ =	shalt  }
0x46: {  	_ =	shalt  }
0x47: {  	_ =	shalt  }
0x48: {  	_ =	shalt  }
0x49: {  	_ =	shalt  }
0x4a: {  	_ =	shalt  }
0x4b: {  	_ =	shalt  }
0x4c: {  	_ =	shalt  }
0x4d: {  	_ =	shalt  }
0x4e: {  	_ =	shalt  }
0x4f: {  	_ =	shalt  }
0x50: {  	_ =	shalt  }
0x51: {  	_ =	shalt  }
0x52: {  	_ =	shalt  }
0x53: {  	_ =	shalt  }
0x54: {  	_ =	shalt  }
0x55: {  	_ =	shalt  }
0x56: {  	_ =	shalt  }
0x57: {  	_ =	shalt  }
0x58: {  	_ =	shalt  }
0x59: {  	_ =	shalt  }
0x5a: {  	_ =	shalt  }
0x5b: {  	_ =	shalt  }
0x5c: {  	_ =	shalt  }
0x5d: {  	_ =	shalt  }
0x5e: {  	_ =	shalt  }
0x5f: {  	_ =	shalt  }
0x60: {  	_ =	shalt  }
0x61: {  	_ =	shalt  }
0x62: {  	_ =	shalt  }
0x63: {  	_ =	shalt  }
0x64: {  	_ =	shalt  }
0x65: {  	_ =	shalt  }
0x66: {  	_ =	shalt  }
0x67: {  	_ =	shalt  }
0x68: {  	_ =	shalt  }
0x69: {  	_ =	shalt  }
0x6a: {  	_ =	shalt  }
0x6b: {  	_ =	shalt  }
0x6c: {  	_ =	shalt  }
0x6d: {  	_ =	shalt  }
0x6e: {  	_ =	shalt  }
0x6f: {  	_ =	shalt  }
0x70: {  	_ =	shalt  }
0x71: {  	_ =	shalt  }
0x72: {  	_ =	shalt  }
0x73: {  	_ =	shalt  }
0x74: {  	_ =	shalt  }
0x75: {  	_ =	shalt  }
0x76: {  	_ =	shalt  }
0x77: {  	_ =	shalt  }
0x78: {  	_ =	shalt  }
0x79: {  	_ =	shalt  }
0x7a: {  	_ =	shalt  }
0x7b: {  	_ =	shalt  }
0x7c: {  	_ =	shalt  }
0x7d: {  	_ =	shalt  }
0x7e: {  	_ =	shalt  }
0x7f: {  	_ =	shalt  }
0x80: {  	_ =	shalt  }
0x81: {  	_ =	shalt  }
0x82: {  	_ =	shalt  }
0x83: {  	_ =	shalt  }
0x84: {  	_ =	shalt  }
0x85: {  	_ =	shalt  }
0x86: {  	_ =	shalt  }
0x87: {  	_ =	shalt  }
.Lfunc_end0:
.L_simem_size_0:
called_computation_lowered:
.L_overlay_start_0:
0x88: {  	s0 =	sld [smem:$0x3FD9]  }
0x89: {  	s1 =	sld [smem:$0x3FFE];
	_ =	sdelay $0x3  }
0x8a: {  	s0 =	sadd.s32 s1, s0  }
0x8b: {  	[smem:$0x3FB1] =	sst s0  }
0x8c: {  	_ = 	snop  }
0x8d: {  	s0 =	sld [smem:$0x3FD0];
	_ =	sdelay $0x2  }
0x8e: {  	s13 =	simm.s32 $0xA;
	s2 =	simm.s32 $0x10  }
0x8f: {  	[smem:s2], [sflag:s13] =	dma.local [hbm:s0], $0x1  }
0x90: {  	_ =	swait.eq [sflag:s13], $0x1  }
0x91: {  	[sflag:s13] =	ssyncset.done $0x0  }
0x92: {  	[sflag:s13] =	ssyncadd.s32 $0xFFFFFFFF  }
0x93: {  	s14 =	sld [smem:$0x13];
	(tm) =	ssettm $0x1  }
0x94: {  	s15 =	sld [smem:$0x3FFB];
	_ =	sdelay $0x3  }
0x95: {  	_ =	strace s15  }
0x96: {  	s1 =	sld [smem:$0x3FFC];
	_ =	sdelay $0x3  }
0x97: {  	_ =	strace s1  }
0x98: {  	s1 =	sld [smem:$0x3FFD];
	_ =	sdelay $0x3  }
0x99: {  	_ =	strace s1  }
0x9a: {  	_ =	strace $0x8FFFFFFF  }
0x9b: {  	s16 =	sld [smem:$0x3FDB];
	_ =	sdelay $0x1  }
0x9c: {  	s17 =	simm.s32 $_scs_section_size  }
0x9d: {  	s3 =	simm.s32 $_size__tile_overlayer_lowered;
	s4 =	simm.s32 $_tile_overlayer_lowered  }
0x9e: {  	s20 =	simm.s32 $0x1BFF;
	s19 =	sshll.u32 s4, $0x1;
	s1 =	sadd.s32 s17, s16  }
0x9f: {  	s5 =	simm.s32 $0x0;
	s18 =	sshll.u32 s3, $0x1;
	s3 =	sadd.s32 s19, s1  }
0xa0: {  	[timem:s5], [sflag:s20] =	dma.local [hbm:s3], s18  }
0xa1: {  	_ =	swait.ge [sflag:s20], s18  }
0xa2: {  	s2 =	ssub.s32 $0x0, s18;
	[sflag:s20] =	ssyncset.done $0x0  }
0xa3: {  	[sflag:s20] =	ssyncadd.s32 s2;
	_ =	sdelay $0x1  }
0xa4: {  	s21 =	simm.s32 $0x1B8B  }
0xa5: {  	_ =	swait.ge [sflag:s21], $0x1  }
0xa6: {  	[sflag:s21] =	ssyncset.done $0x0  }
0xa7: {  	s23 =	simm.s32 $0x1B8E;
	s22 =	sld [smem:$0x3FFE];
	[sflag:s21] =	ssyncadd.s32 $0xFFFFFFFF  }
0xa8: {  	s24 =	simm.s32 $execute0_lowered;
	[smem:$0x3FD2] =	sst s23  }
0xa9: {  	s3 =	sshll.u32 s24, $0x1;
	_ =	strace $0x80000046;
	[dreg:$0x1] =	wrdreg $0xFFFFFFFF  }
0xaa: {  	s25 =	simm.s32 $_size_execute0_lowered;
	s1 =	sadd.s32 s1, s3;
	[dreg:$0x0] =	wrdreg $0x0  }
0xab: {  	s3 =	sshll.u32 s25, $0x1;
	[dreg:$0x2] =	wrdreg s1  }
0xac: {  	[dreg:$0x3] =	wrdreg s3  }
0xad: {  	[dreg:$0x4] =	wrdreg $0xC0  }
0xae: {  	_ =	task [dreg:s5], $0x5FFFF  }
0xaf: {  	[dreg:$0x1] =	wrdreg $0xFFFFFFFF  }
0xb0: {  	[dreg:$0x0] =	wrdreg $0x60  }
0xb1: {  	[dreg:$0x2] =	wrdreg s14  }
0xb2: {  	[dreg:$0x3] =	wrdreg s22  }
0xb3: {  	[dreg:$0x4] =	wrdreg $0x2000  }
0xb4: {  	[dreg:$0x5] =	wrdreg $0x9  }
0xb5: {  	_ =	task.clear_ibuf [dreg:s5], $0x6FFFF;
	_ =	strace $0x90000046  }
0xb6: {  	s26 =	simm.s32 $0x9;
	_ =	strace $0x80000048  }
0xb7: {  	_ =	swait.ge [sflag:s26], $0x1  }
0xb8: {  	[sflag:s26] =	ssyncadd.s32 $0xFFFFFFFF  }
0xb9: {  	_ =	strace $0x90000048  }
0xba: {  	_ =	sfence  }
0xbb: {  	s28 =	sld [smem:$0x0];
	_ =	sdelay $0x1  }
0xbc: {  	s29 =	srdreg.scid  }
0xbd: {  	s30 =	sshll.u32 s29, $0xD;
	s31 =	sshrl.u32 s29, $0x2  }
0xbe: {  	s2 =	sand.u32 $0x4000, s30;
	s1 =	sand.u32 $0x1, s29;
	s0 =	sadd.s32 s31, s28  }
0xbf: {  	s1 =	sor.u32 s2, s1;
	s0 =	sshll.u32 s0, $0x11  }
0xc0: {  	s0 =	sor.u32 s0, s1  }
0xc1: {  	s0 =	sadd.s32 $0x8F2B, s0  }
0xc2: {  	[sflag:s0] =	ssyncadd.remote.s32 $0x1  }
0xc3: {  	_ =	sfence.sel $0xFFFF  }
0xc4: {  	[dreg:$0x0] =	wrdreg $0xFFFFFFFF;
	(pc) =	sbr.abs _section_cstart, $3  }
0xc5: {  	[dreg:$0x1] =	wrdreg $0xFFFFFFFF  }
0xc6: {  	_ =	task.clear_ibuf [dreg:s5], $0x2FFFF;
	_ =	strace $0x9FFFFFFF  }
0xc7: {  	(tm) =	ssettm $0x7FFFFFFF  }
tec
execute0_lowered:
.L_overlay_start_1:
0x0: {  	(tag) =	ssettag $0x1  }
0x1: {  	s3 =	rddreg [dreg:$0x0]  }
0x2: {  	s1 =	rddreg [dreg:$0x1]  }
0x3: {  	s2 =	rddreg [dreg:$0x2];
	s4 =	stileid.u32  }
0x4: {  	s0 =	rddreg [dreg:$0x3];
	s5 =	simm.s32 $0x0;
	s6 =	smul.u32 $0xE, s4  }
0x5: {  	[smem:$0x7FF] =	sst s5  }
0x6: {  	s30 =	simm.s32 $0x1;
	_ =	strace $0x80000047;
	s3 =	sadd.s32 s3, s6  }
0x7: {  	[tilespmem:s5], [sflag:$0x1] =	stream.linear.gather [hbm4b:s3+s5], $0x70, $0x38;
	[tilespmem:$0x600] =	vst v63  }
0x8: {  	_ =	swait.ge [sflag:s30], $0x70  }
0x9: {  	s6 =	sadd.s32 s6, s1;
	[sflag:s30] =	ssyncset.done $0x0  }
0xa: {  	s7 =	simm.s32 $0x80;
	s6 =	sadd.s32 $0x2A00, s6;
	[sflag:s30] =	ssyncadd.s32 $0xFFFFFF90  }
0xb: {  	[tilespmem:s7], [sflag:$0x1] =	stream.linear.gather [hbm4b:s6+s5], $0x70, $0x38;
	[tilespmem:$0x600] =	vst v63  }
0xc: {  	p0 =	sne.s32 s4, $0x0;
	_ =	swait.ge [sflag:s30], $0x70  }
0xd: {  	s4 =	sshrl.u32 @!p0 s2, $0x3;
	[sflag:s30] =	ssyncset.done $0x0  }
0xe: {  	s5 =	sadd.s32 $0x2C00, s1;
	s6 =	simm.s32 @!p0 $0x1C01;
	[sflag:s30] =	ssyncadd.s32 $0xFFFFFF90  }
0xf: {  	[spmem:s4], [sflag:s6] =	dma.local @!p0 [hbm:s5], $0x800  }
0x10: {  	s5 =	simm.s32 @!p0 $0x1  }
0x11: {  	_ =	swait.ge @!p0 [sflag:s5], $0x800  }
0x12: {  	[sflag:s5] =	ssyncset.done @!p0 $0x0  }
0x13: {  	[sflag:s5] =	ssyncadd.s32 @!p0 $0xFFFFF800  }
0x14: {  	v0 =	vld [tilespmem:$0x80]  }
0x15: {  	v1 =	vld [tilespmem:$0x0]  }
0x16: {  	v2 =	vld [tilespmem:$0x90]  }
0x17: {  	v3 =	vld [tilespmem:$0x10]  }
0x18: {  	v4 =	vld [tilespmem:$0xA0]  }
0x19: {  	v60 =	vimm.f32 $1.000000000e+00;
	v5 =	vld [tilespmem:$0x20]  }
0x1a: {  	v6 =	vld [tilespmem:$0xB0];
	[tilespmem:$0x180] =	vst v60  }
0x1b: {  	v7 =	vld [tilespmem:$0x30];
	[tilespmem:$0x190] =	vst v60  }
0x1c: {  	v8 =	vld [tilespmem:$0xC0];
	[tilespmem:$0x1A0] =	vst v60  }
0x1d: {  	v9 =	vld [tilespmem:$0x40];
	[tilespmem:$0x1B0] =	vst v60  }
0x1e: {  	v51 =	vld [tilespmem:$0xD0];
	[tilespmem:$0x1C0] =	vst v60  }
0x1f: {  	v54 =	vld [tilespmem:$0x50];
	[tilespmem:$0x1D0] =	vst v60;
	v0 =	vshll.u32 v0, $0x7  }
0x20: {  	v62 =	vld [tilespmem:$0xE0];
	[tilespmem:$0x1E0] =	vst v60;
	v50 =	vshll.u32 v2, $0x7;
	v0 =	vadd.s32 v1, v0  }
0x21: {  	v63 =	vld [tilespmem:$0x60];
	v53 =	vshll.u32 v4, $0x7;
	v52 =	vadd.s32 v3, v50;
	[tilespmem:$0x100] =	vst v0  }
0x22: {  	v56 =	vshll.u32 v6, $0x7;
	v55 =	vadd.s32 v5, v53;
	[tilespmem:$0x110] =	vst v52  }
0x23: {  	v58 =	vshll.u32 v8, $0x7;
	v57 =	vadd.s32 v7, v56;
	[tilespmem:$0x120] =	vst v55  }
0x24: {  	v61 =	vshll.u32 v51, $0x7;
	v59 =	vadd.s32 v9, v58;
	[tilespmem:$0x130] =	vst v57  }
0x25: {  	v2 =	vshll.u32 v62, $0x7;
	v1 =	vadd.s32 v54, v61;
	[tilespmem:$0x140] =	vst v59  }
0x26: {  	[tilespmem:$0x150] =	vst v1;
	v1 =	vadd.s32 v63, v2  }
0x27: {  	s31 =	simm.s32 $0x70;
	[tilespmem:$0x160] =	vst v1  }
0x28: {  	s8 =	simm.s32 $0x100;
	s9 =	simm.s32 $0x180;
	[bflag:$0x0] =	sbarrier.arrive $0xFFFF  }
0x29: {  	[spmem:s2] =	stream.indirect.scatter.add.f32 [tilespmem:s9], [sflag:$0x1], $0x1, s8, s31, $0xb8;
	[tilespmem:$0x600] =	vst v63  }
0x2a: {  	_ =	swait.ge [sflag:s30], $0x70  }
0x2b: {  	[sflag:s30] =	ssyncset.done $0x0  }
0x2c: {  	[sflag:s30] =	ssyncadd.s32 $0xFFFFFF90  }
0x2d: {  	[bflag:$0x0] =	sbarrier.arrive $0xFFFF  }
0x2e: {  	_ =	sfence.sel @p0 $0x180000  }
0x2f: {  	[bflag:$0x0] =	sbarrier.arrive @p0 $0xFFFF  }
0x30: {  	_ =	strace @p0 $0x90000047  }
0x31: {  	s1 =	sadd.s32 $0x3400, s1;
	[bflag:$0x2] =	sbarrier.arrive @p0 $0xFFFF  }
0x32: {  	[hbm:s1], [sflag:s6] =	dma.local @!p0 [spmem:s4], $0x800  }
0x33: {  	_ =	swait.ge @!p0 [sflag:s5], $0x800  }
0x34: {  	[sflag:s5] =	ssyncset.done @!p0 $0x0  }
0x35: {  	[sflag:s5] =	ssyncadd.s32 @!p0 $0xFFFFF800  }
0x36: {  	_ =	sfence.sel @!p0 $0x180000  }
0x37: {  	[bflag:$0x0] =	sbarrier.arrive @!p0 $0xFFFF  }
0x38: {  	_ =	strace @!p0 $0x90000047  }
0x39: {  	s0 =	sadd.s32 @!p0 $0x100000, s0;
	[bflag:$0x2] =	sbarrier.arrive @!p0 $0xFFFF  }
0x3a: {  	[sflag:s0] =	ssyncadd.tile.s32 @!p0 $0x1;
	_ =	shalt  }
.Lfunc_end2:
_tile_overlayer_lowered:
.L_overlay_start_2:
0x3b: {  	(tag) =	ssettag $0x2  }
0x3c: {  	s0 =	rddreg [dreg:$0x0];
	s2 =	stileid.u32  }
0x3d: {  	s1 =	rddreg [dreg:$0x1];
	p0 =	sne.s32 s2, $0x0  }
0x3e: {  	s3 =	rddreg [dreg:$0x2];
	[bflag:$0x3] =	sbarrier.arrive $0xFFFF;
	s2 =	simm.s32 @!p0 $0x1C01  }
0x3f: {  	[timem:s3], [sflag:s2] =	dma.local @!p0 [hbm:s0], s1  }
0x40: {  	s0 =	simm.s32 @!p0 $0x1  }
0x41: {  	_ =	swait.ge @!p0 [sflag:s0], s1  }
0x42: {  	s1 =	ssub.s32 @!p0 $0x0, s1;
	[sflag:s0] =	ssyncset.done @!p0 $0x0  }
0x43: {  	[sflag:s0] =	ssyncadd.s32 @!p0 s1  }
0x44: {  	[bflag:$0x3] =	sbarrier.arrive $0xFFFF  }
0x45: {  	_ =	shalt  }

</sc_bundles>
